<compile_context>
chip_gen: v7x
topology: tpu7x:2x2x1
jax: 0.10.2.dev20260603
libtpu: 0.0.44.dev20260713+nightly
codegen_flags: <defaults>
</compile_context>

<pallas_src>
import jax
import jax.numpy as jnp
from jax.experimental import pallas as pl
from jax.experimental.pallas import tpu as pltpu
from jax.experimental.pallas import tpu_sc as plsc

T = 64
D = 1024
E = 64
DFF = 1024
LANES = 16
NCHUNK = E // LANES


def _lane_idx(c):
    return jnp.arange(LANES, dtype=jnp.int32) + jnp.full((LANES,), LANES * c, jnp.int32)


def _sc_routing(gate_hbm, w_hbm, sched_hbm, g_v, w_v, sched_v, ord_v):
    cid = jax.lax.axis_index("c")
    sid = jax.lax.axis_index("s")
    NEG = jnp.float32(-3.0e38)
    ones = jnp.full((LANES,), 1, jnp.int32)
    zeros = jnp.full((LANES,), 0, jnp.int32)

    @pl.when((cid == 0) & (sid == 0))
    def _route_tokens():
        pltpu.sync_copy(gate_hbm, g_v)

        fzeros = jnp.full((LANES,), 0.0, jnp.float32)

        def _zero_row(j, carry):
            for c in range(NCHUNK):
                w_v[j, pl.ds(LANES * c, LANES)] = fzeros
            return carry

        jax.lax.fori_loop(0, T, _zero_row, 0)

        NEGV = jnp.full((LANES,), NEG)
        iz = jnp.full((LANES,), 0, jnp.int32)

        UNROLL = 4

        def _expert_body(eo, carry):
            m1s = list(carry[0:4])
            a1s = list(carry[4:8])
            m2s = list(carry[8:12])
            a2s = list(carry[12:16])
            for u in range(UNROLL):
                e = eo * UNROLL + u
                ev = jnp.full((LANES,), e, jnp.int32)
                for c in range(NCHUNK):
                    tok = _lane_idx(c)
                    col = plsc.load_gather(g_v, [tok, ev])
                    gt1 = col > m1s[c]
                    gt2 = col > m2s[c]
                    m2n = jnp.where(gt1, m1s[c], jnp.where(gt2, col, m2s[c]))
                    a2n = jnp.where(gt1, a1s[c], jnp.where(gt2, ev, a2s[c]))
                    m1s[c], a1s[c] = jnp.where(gt1, col, m1s[c]), jnp.where(gt1, ev, a1s[c])
                    m2s[c], a2s[c] = m2n, a2n
            return tuple(m1s) + tuple(a1s) + tuple(m2s) + tuple(a2s)

        init = (NEGV,) * NCHUNK + (iz,) * NCHUNK + (NEGV,) * NCHUNK + (iz,) * NCHUNK
        res = jax.lax.fori_loop(0, E // UNROLL, _expert_body, init)
        m1s, a1s, m2s, a2s = res[0:4], res[4:8], res[8:12], res[12:16]

        for c in range(NCHUNK):
            tok = _lane_idx(c)
            p2 = jnp.exp(m2s[c] - m1s[c])
            w1 = 1.0 / (1.0 + p2)
            w2 = p2 / (1.0 + p2)
            plsc.store_scatter(w_v, [tok, a1s[c]], w1)
            plsc.store_scatter(w_v, [tok, a2s[c]], w2)
        pltpu.sync_copy(w_v, w_hbm)

        for c in range(NCHUNK):
            ord_v[pl.ds(LANES * c, LANES)] = zeros
        for c in range(NCHUNK):
            plsc.store_scatter(ord_v, [a1s[c]], ones)
            plsc.store_scatter(ord_v, [a2s[c]], ones)
        accs = [ord_v[pl.ds(LANES * c, LANES)] for c in range(NCHUNK)]
        lasts = [jnp.max(jnp.where(accs[c] == 1, _lane_idx(c),
                                   jnp.full((LANES,), -1, jnp.int32)))
                 for c in range(NCHUNK)]
        last = jnp.maximum(jnp.maximum(lasts[0], lasts[1]),
                           jnp.maximum(lasts[2], lasts[3]))
        for c in range(NCHUNK):
            ord_v[pl.ds(LANES * c, LANES)] = jnp.full((LANES,), last)
        off = jnp.int32(0)
        n = jnp.int32(0)
        for c in range(NCHUNK):
            mask = accs[c] == 1
            pos = plsc.cumsum(accs[c]) - 1 + off
            pos = jnp.where(mask, pos, jnp.full((LANES,), 0, jnp.int32))
            plsc.store_scatter(ord_v, [pos], _lane_idx(c), mask=mask)
            cnt = jnp.sum(accs[c])
            off = off + cnt
            n = n + cnt
        for c in range(NCHUNK):
            sched_v[0, pl.ds(LANES * c, LANES)] = ord_v[pl.ds(LANES * c, LANES)]
            sched_v[1, pl.ds(LANES * c, LANES)] = jnp.where(_lane_idx(c) < n, ones, zeros)
            for r in range(2, 8):
                sched_v[r, pl.ds(LANES * c, LANES)] = zeros
        pltpu.sync_copy(sched_v, sched_hbm)


def _moe_step(sched_ref, x_ref, w_ref, gp_ref, up_ref, dp_ref, out_ref):
    i = pl.program_id(0)

    @pl.when(i == 0)
    def _init():
        out_ref[...] = jnp.zeros_like(out_ref)

    @pl.when(sched_ref[1, i] == 1)
    def _compute():
        x = x_ref[...]
        gate = jax.lax.dot_general(
            x, gp_ref[0, 0], (((1,), (1,)), ((), ())),
            preferred_element_type=jnp.float32)
        up = jax.lax.dot_general(
            x, up_ref[0, 0], (((1,), (1,)), ((), ())),
            preferred_element_type=jnp.float32)
        h = gate * jax.nn.sigmoid(gate) * up
        oe = jax.lax.dot_general(
            h, dp_ref[0], (((1,), (1,)), ((), ())),
            preferred_element_type=jnp.float32)
        e_id = sched_ref[0, i]
        eidx = jax.lax.broadcasted_iota(jnp.int32, (T, E), 1)
        we = jnp.sum(jnp.where(eidx == e_id, w_ref[...], 0.0), axis=1, keepdims=True)
        out_ref[...] += we * oe


@jax.jit
def kernel(x, gating_output, gate_up_proj, down_proj):
    w_te, sched = pl.kernel(
        _sc_routing,
        out_type=[
            jax.ShapeDtypeStruct((T, E), jnp.float32),
            jax.ShapeDtypeStruct((8, E), jnp.int32),
        ],
        mesh=plsc.VectorSubcoreMesh(core_axis_name="c", subcore_axis_name="s"),
        scratch_types=[
            pltpu.VMEM((T, E), jnp.float32),
            pltpu.VMEM((T, E), jnp.float32),
            pltpu.VMEM((8, E), jnp.int32),
            pltpu.VMEM((E,), jnp.int32),
        ],
        compiler_params=pltpu.CompilerParams(needs_layout_passes=False),
    )(gating_output)

    gup4 = gate_up_proj.reshape(E, 2, DFF, D)
    return pl.pallas_call(
        _moe_step,
        grid_spec=pltpu.PrefetchScalarGridSpec(
            num_scalar_prefetch=1,
            grid=(E,),
            in_specs=[
                pl.BlockSpec((T, D), lambda i, s: (0, 0)),
                pl.BlockSpec((T, E), lambda i, s: (0, 0)),
                pl.BlockSpec((1, 1, DFF, D), lambda i, s: (s[0, i], 0, 0, 0)),
                pl.BlockSpec((1, 1, DFF, D), lambda i, s: (s[0, i], 1, 0, 0)),
                pl.BlockSpec((1, D, DFF), lambda i, s: (s[0, i], 0, 0)),
            ],
            out_specs=pl.BlockSpec((T, D), lambda i, s: (0, 0)),
        ),
        out_shape=jax.ShapeDtypeStruct((T, D), jnp.float32),
    )(sched, x, w_te, gup4, gup4, down_proj)

# --- scband reference (transcript-rebuilt; emitter-appended) ---
"""Pipeline reference for scband-unquantized-sparse-mo-elayer-82076825027369 (READ-ONLY COPY).

The authoritative reference and input builder live on the scoring server;
editing this copy changes nothing except your own understanding.
"""

import jax, jax.numpy as jnp
import numpy as np

T = 64        # tokens = batch(64) * q_len(1), decode-mode MoE
D = 1024      # d_model
E = 64        # n_experts
DFF = 1024    # intermediate size per expert
TOPK = 2
RENORMALIZE = True


def setup_inputs(seed: int = 0) -> dict:
    key = jax.random.key(seed)
    k1, k2, k3, k4 = jax.random.split(key, 4)
    x = jax.random.normal(k1, (T, D), dtype=jnp.float32)
    gating_output = jax.random.normal(k2, (T, E), dtype=jnp.float32)
    # fused gate+up projection weights, torch Linear layout [out, in] stacked over experts
    gate_up_proj = jax.random.normal(k3, (E, 2 * DFF, D), dtype=jnp.float32) * 0.02
    # down projection weights [out, in] = [d_model, d_ff] stacked over experts
    down_proj = jax.random.normal(k4, (E, D, DFF), dtype=jnp.float32) * 0.02
    return {"x": x, "gating_output": gating_output, "gate_up_proj": gate_up_proj, "down_proj": down_proj}


def reference(x, gating_output, gate_up_proj, down_proj):
    # --- fused_topk (softmax scoring, renormalize) ---
    scores = jax.nn.softmax(gating_output.astype(jnp.float32), axis=-1)  # [T, E]
    topk_weights, topk_ids = jax.lax.top_k(scores, TOPK)                 # [T, K], [T, K]
    if RENORMALIZE:
        topk_weights = topk_weights / jnp.sum(topk_weights, axis=-1, keepdims=True)
    # --- fused_experts: gather per-token expert weights (SparseCore-style gather) ---
    w1g = jnp.take(gate_up_proj, topk_ids, axis=0)   # [T, K, 2*DFF, D]
    gu = jnp.einsum('tkfd,td->tkf', w1g, x)          # [T, K, 2*DFF]
    gate, up = jnp.split(gu, 2, axis=-1)             # each [T, K, DFF]
    h = jax.nn.silu(gate) * up                       # SwiGLU activation
    w2g = jnp.take(down_proj, topk_ids, axis=0)      # [T, K, D, DFF]
    out_k = jnp.einsum('tkof,tkf->tko', w2g, h)      # [T, K, D]
    out = jnp.sum(topk_weights[..., None] * out_k, axis=1)  # [T, D]
    return out


if False:  # reference __main__ guard neutralized (emitter)
    inp = setup_inputs()
    out = reference(**inp)
    print(out.shape, out.dtype)

if __name__ == "__main__":
    import jax
    _d = setup_inputs()
    print(jax.jit(kernel)(*tuple(_d.values())))

</pallas_src>

<mosaic_0001>
#map = affine_map<(d0, d1) -> (0, 0)>
module attributes {stable_mosaic.version = 14 : i64} {
  func.func @_sc_routing(%arg0: i32, %arg1: i32, %arg2: memref<64x64xf32, #tpu.memory_space<hbm>>, %arg3: memref<64x64xf32, #tpu.memory_space<hbm>>, %arg4: memref<8x64xi32, #tpu.memory_space<hbm>>, %arg5: memref<64x64xf32, #tpu.memory_space<vmem>>, %arg6: memref<64x64xf32, #tpu.memory_space<vmem>>, %arg7: memref<8x64xi32, #tpu.memory_space<vmem>>, %arg8: memref<64xi32, #tpu.memory_space<vmem>>) attributes {dimension_semantics = [#tpu.dimension_semantics<core_parallel>, #tpu.dimension_semantics<subcore_parallel>], iteration_bounds = array<i64: 2, 16>, scalar_prefetch = 0 : i64, scratch_operands = 4 : i64, tpu.core_type = #tpu.core_type<sc_vector_subcore>, window_params = [{transform_indices = #map}, {transform_indices = #map}, {transform_indices = #map}]} {
    %broadcast_in_dim3A = arith.constant 1 : i32
    %broadcast_in_dim3A_0 = vector.broadcast %broadcast_in_dim3A : i32 to vector<16xi32>
    %broadcast_in_dim3A_1 = arith.constant 0 : i32
    %broadcast_in_dim3A_2 = vector.broadcast %broadcast_in_dim3A_1 : i32 to vector<16xi32>
    %eq3A = arith.constant 0 : i32
    %eq3A_3 = arith.cmpi eq, %arg0, %eq3A : i32
    %eq3A_4 = arith.constant 0 : i32
    %eq3A_5 = arith.cmpi eq, %arg1, %eq3A_4 : i32
    %and3A = arith.andi %eq3A_3, %eq3A_5 : i1
    %convert_element_type3A = arith.extui %and3A : i1 to i32
    %cond3A = arith.constant -3.000000e+38 : f32
    %cond3A_6 = arith.constant 0 : i32
    %cond3A_7 = arith.cmpi ne, %convert_element_type3A, %cond3A_6 : i32
    scf.if %cond3A_7 {
      "tpu.region"() ({
        %run_scoped3A = tpu.sem_alloc : memref<!tpu.dma_semaphore, #tpu.memory_space<semaphore_mem>>
        tpu.enqueue_dma source(%arg2 : memref<64x64xf32, #tpu.memory_space<hbm>>) target(%arg5 : memref<64x64xf32, #tpu.memory_space<vmem>>) target_semaphore(%run_scoped3A : memref<!tpu.dma_semaphore, #tpu.memory_space<semaphore_mem>>)
        tpu.wait_dma2 semaphore(%run_scoped3A : memref<!tpu.dma_semaphore, #tpu.memory_space<semaphore_mem>>) src(%arg2 : memref<64x64xf32, #tpu.memory_space<hbm>>) dst(%arg5 : memref<64x64xf32, #tpu.memory_space<vmem>>)
        tpu.yield
      }) : () -> ()
      %broadcast_in_dim3A_8 = arith.constant 0.000000e+00 : f32
      %broadcast_in_dim3A_9 = vector.broadcast %broadcast_in_dim3A_8 : f32 to vector<16xf32>
      %scan3A = arith.constant 0 : i32
      %scan3A_10 = arith.constant 0 : i32
      %scan3A_11 = arith.constant 64 : i32
      %scan3A_12 = arith.addi %scan3A_10, %scan3A_11 : i32
      %scan3A_13 = arith.constant 1 : i32
      scf.for %scan3A_441 = %scan3A_10 to %scan3A_12 step %scan3A_13  : i32 {
        %swap3A_442 = arith.index_cast %scan3A_441 : i32 to index
        %swap3A_443 = arith.constant 0 : index
        %swap3A_444 = tpu.vector_load %arg6[%swap3A_442, %swap3A_443] {strides = array<i32>} : memref<64x64xf32, #tpu.memory_space<vmem>>, vector<16xf32>,
        tpu.vector_store %arg6[%swap3A_442, %swap3A_443], %broadcast_in_dim3A_9 {strides = array<i32>} : memref<64x64xf32, #tpu.memory_space<vmem>>, vector<16xf32>,
        %swap3A_445 = arith.index_cast %scan3A_441 : i32 to index
        %swap3A_446 = arith.constant 16 : index
        %swap3A_447 = tpu.vector_load %arg6[%swap3A_445, %swap3A_446] {strides = array<i32>} : memref<64x64xf32, #tpu.memory_space<vmem>>, vector<16xf32>,
        tpu.vector_store %arg6[%swap3A_445, %swap3A_446], %broadcast_in_dim3A_9 {strides = array<i32>} : memref<64x64xf32, #tpu.memory_space<vmem>>, vector<16xf32>,
        %swap3A_448 = arith.index_cast %scan3A_441 : i32 to index
        %swap3A_449 = arith.constant 32 : index
        %swap3A_450 = tpu.vector_load %arg6[%swap3A_448, %swap3A_449] {strides = array<i32>} : memref<64x64xf32, #tpu.memory_space<vmem>>, vector<16xf32>,
        tpu.vector_store %arg6[%swap3A_448, %swap3A_449], %broadcast_in_dim3A_9 {strides = array<i32>} : memref<64x64xf32, #tpu.memory_space<vmem>>, vector<16xf32>,
        %swap3A_451 = arith.index_cast %scan3A_441 : i32 to index
        %swap3A_452 = arith.constant 48 : index
        %swap3A_453 = tpu.vector_load %arg6[%swap3A_451, %swap3A_452] {strides = array<i32>} : memref<64x64xf32, #tpu.memory_space<vmem>>, vector<16xf32>,
        tpu.vector_store %arg6[%swap3A_451, %swap3A_452], %broadcast_in_dim3A_9 {strides = array<i32>} : memref<64x64xf32, #tpu.memory_space<vmem>>, vector<16xf32>,
      }
      %scan3A_14 = arith.constant 64 : i32
      %broadcast_in_dim3A_15 = vector.broadcast %cond3A : f32 to vector<16xf32>
      %broadcast_in_dim3A_16 = arith.constant 0 : i32
      %broadcast_in_dim3A_17 = vector.broadcast %broadcast_in_dim3A_16 : i32 to vector<16xi32>
      %scan3A_18 = arith.constant 0 : i32
      %scan3A_19 = arith.constant 16 : i32
      %scan3A_20 = arith.addi %scan3A_18, %scan3A_19 : i32
      %scan3A_21 = arith.constant 1 : i32
      %scan3A_22:16 = scf.for %scan3A_441 = %scan3A_18 to %scan3A_20 step %scan3A_21 iter_args(%scan3A_442 = %broadcast_in_dim3A_15, %scan3A_443 = %broadcast_in_dim3A_15, %scan3A_444 = %broadcast_in_dim3A_15, %scan3A_445 = %broadcast_in_dim3A_15, %scan3A_446 = %broadcast_in_dim3A_17, %scan3A_447 = %broadcast_in_dim3A_17, %scan3A_448 = %broadcast_in_dim3A_17, %scan3A_449 = %broadcast_in_dim3A_17, %scan3A_450 = %broadcast_in_dim3A_15, %scan3A_451 = %broadcast_in_dim3A_15, %scan3A_452 = %broadcast_in_dim3A_15, %scan3A_453 = %broadcast_in_dim3A_15, %scan3A_454 = %broadcast_in_dim3A_17, %scan3A_455 = %broadcast_in_dim3A_17, %scan3A_456 = %broadcast_in_dim3A_17, %scan3A_457 = %broadcast_in_dim3A_17) -> (vector<16xf32>, vector<16xf32>, vector<16xf32>, vector<16xf32>, vector<16xi32>, vector<16xi32>, vector<16xi32>, vector<16xi32>, vector<16xf32>, vector<16xf32>, vector<16xf32>, vector<16xf32>, vector<16xi32>, vector<16xi32>, vector<16xi32>, vector<16xi32>)  : i32 {
        %mul3A = arith.constant 4 : i32
        %mul3A_458 = arith.muli %scan3A_441, %mul3A : i32
        %add3A_459 = arith.constant 0 : i32
        %add3A_460 = arith.addi %mul3A_458, %add3A_459 : i32
        %broadcast_in_dim3A_461 = vector.broadcast %add3A_460 : i32 to vector<16xi32>
        %iota3A_462 = tpu.iota {dimensions = array<i32: 0>} : vector<16xi32>
        %broadcast_in_dim3A_463 = arith.constant 0 : i32
        %broadcast_in_dim3A_464 = vector.broadcast %broadcast_in_dim3A_463 : i32 to vector<16xi32>
        %add3A_465 = arith.addi %iota3A_462, %broadcast_in_dim3A_464 : vector<16xi32>
        %gather3A = tpu.vector_load_idx %arg5[%add3A_465, %broadcast_in_dim3A_461] : memref<64x64xf32, #tpu.memory_space<vmem>>[vector<16xi32>, vector<16xi32>], vector<16xf32>,
        %gt3A = arith.cmpf ogt, %gather3A, %scan3A_442 : vector<16xf32>
        %gt3A_466 = arith.cmpf ogt, %gather3A, %scan3A_450 : vector<16xf32>
        %select_n3A_467 = arith.select %gt3A_466, %gather3A, %scan3A_450 : vector<16xi1>, vector<16xf32>
        %select_n3A_468 = arith.select %gt3A, %scan3A_442, %select_n3A_467 : vector<16xi1>, vector<16xf32>
        %select_n3A_469 = arith.select %gt3A_466, %broadcast_in_dim3A_461, %scan3A_454 : vector<16xi1>, vector<16xi32>
        %select_n3A_470 = arith.select %gt3A, %scan3A_446, %select_n3A_469 : vector<16xi1>, vector<16xi32>
        %select_n3A_471 = arith.select %gt3A, %gather3A, %scan3A_442 : vector<16xi1>, vector<16xf32>
        %select_n3A_472 = arith.select %gt3A, %broadcast_in_dim3A_461, %scan3A_446 : vector<16xi1>, vector<16xi32>
        %iota3A_473 = tpu.iota {dimensions = array<i32: 0>} : vector<16xi32>
        %broadcast_in_dim3A_474 = arith.constant 16 : i32
        %broadcast_in_dim3A_475 = vector.broadcast %broadcast_in_dim3A_474 : i32 to vector<16xi32>
        %add3A_476 = arith.addi %iota3A_473, %broadcast_in_dim3A_475 : vector<16xi32>
        %gather3A_477 = tpu.vector_load_idx %arg5[%add3A_476, %broadcast_in_dim3A_461] : memref<64x64xf32, #tpu.memory_space<vmem>>[vector<16xi32>, vector<16xi32>], vector<16xf32>,
        %gt3A_478 = arith.cmpf ogt, %gather3A_477, %scan3A_443 : vector<16xf32>
        %gt3A_479 = arith.cmpf ogt, %gather3A_477, %scan3A_451 : vector<16xf32>
        %select_n3A_480 = arith.select %gt3A_479, %gather3A_477, %scan3A_451 : vector<16xi1>, vector<16xf32>
        %select_n3A_481 = arith.select %gt3A_478, %scan3A_443, %select_n3A_480 : vector<16xi1>, vector<16xf32>
        %select_n3A_482 = arith.select %gt3A_479, %broadcast_in_dim3A_461, %scan3A_455 : vector<16xi1>, vector<16xi32>
        %select_n3A_483 = arith.select %gt3A_478, %scan3A_447, %select_n3A_482 : vector<16xi1>, vector<16xi32>
        %select_n3A_484 = arith.select %gt3A_478, %gather3A_477, %scan3A_443 : vector<16xi1>, vector<16xf32>
        %select_n3A_485 = arith.select %gt3A_478, %broadcast_in_dim3A_461, %scan3A_447 : vector<16xi1>, vector<16xi32>
        %iota3A_486 = tpu.iota {dimensions = array<i32: 0>} : vector<16xi32>
        %broadcast_in_dim3A_487 = arith.constant 32 : i32
        %broadcast_in_dim3A_488 = vector.broadcast %broadcast_in_dim3A_487 : i32 to vector<16xi32>
        %add3A_489 = arith.addi %iota3A_486, %broadcast_in_dim3A_488 : vector<16xi32>
        %gather3A_490 = tpu.vector_load_idx %arg5[%add3A_489, %broadcast_in_dim3A_461] : memref<64x64xf32, #tpu.memory_space<vmem>>[vector<16xi32>, vector<16xi32>], vector<16xf32>,
        %gt3A_491 = arith.cmpf ogt, %gather3A_490, %scan3A_444 : vector<16xf32>
        %gt3A_492 = arith.cmpf ogt, %gather3A_490, %scan3A_452 : vector<16xf32>
        %select_n3A_493 = arith.select %gt3A_492, %gather3A_490, %scan3A_452 : vector<16xi1>, vector<16xf32>
        %select_n3A_494 = arith.select %gt3A_491, %scan3A_444, %select_n3A_493 : vector<16xi1>, vector<16xf32>
        %select_n3A_495 = arith.select %gt3A_492, %broadcast_in_dim3A_461, %scan3A_456 : vector<16xi1>, vector<16xi32>
        %select_n3A_496 = arith.select %gt3A_491, %scan3A_448, %select_n3A_495 : vector<16xi1>, vector<16xi32>
        %select_n3A_497 = arith.select %gt3A_491, %gather3A_490, %scan3A_444 : vector<16xi1>, vector<16xf32>
        %select_n3A_498 = arith.select %gt3A_491, %broadcast_in_dim3A_461, %scan3A_448 : vector<16xi1>, vector<16xi32>
        %iota3A_499 = tpu.iota {dimensions = array<i32: 0>} : vector<16xi32>
        %broadcast_in_dim3A_500 = arith.constant 48 : i32
        %broadcast_in_dim3A_501 = vector.broadcast %broadcast_in_dim3A_500 : i32 to vector<16xi32>
        %add3A_502 = arith.addi %iota3A_499, %broadcast_in_dim3A_501 : vector<16xi32>
        %gather3A_503 = tpu.vector_load_idx %arg5[%add3A_502, %broadcast_in_dim3A_461] : memref<64x64xf32, #tpu.memory_space<vmem>>[vector<16xi32>, vector<16xi32>], vector<16xf32>,
        %gt3A_504 = arith.cmpf ogt, %gather3A_503, %scan3A_445 : vector<16xf32>
        %gt3A_505 = arith.cmpf ogt, %gather3A_503, %scan3A_453 : vector<16xf32>
        %select_n3A_506 = arith.select %gt3A_505, %gather3A_503, %scan3A_453 : vector<16xi1>, vector<16xf32>
        %select_n3A_507 = arith.select %gt3A_504, %scan3A_445, %select_n3A_506 : vector<16xi1>, vector<16xf32>
        %select_n3A_508 = arith.select %gt3A_505, %broadcast_in_dim3A_461, %scan3A_457 : vector<16xi1>, vector<16xi32>
        %select_n3A_509 = arith.select %gt3A_504, %scan3A_449, %select_n3A_508 : vector<16xi1>, vector<16xi32>
        %select_n3A_510 = arith.select %gt3A_504, %gather3A_503, %scan3A_445 : vector<16xi1>, vector<16xf32>
        %select_n3A_511 = arith.select %gt3A_504, %broadcast_in_dim3A_461, %scan3A_449 : vector<16xi1>, vector<16xi32>
        %mul3A_512 = arith.constant 4 : i32
        %mul3A_513 = arith.muli %scan3A_441, %mul3A_512 : i32
        %add3A_514 = arith.constant 1 : i32
        %add3A_515 = arith.addi %mul3A_513, %add3A_514 : i32
        %broadcast_in_dim3A_516 = vector.broadcast %add3A_515 : i32 to vector<16xi32>
        %iota3A_517 = tpu.iota {dimensions = array<i32: 0>} : vector<16xi32>
        %broadcast_in_dim3A_518 = arith.constant 0 : i32
        %broadcast_in_dim3A_519 = vector.broadcast %broadcast_in_dim3A_518 : i32 to vector<16xi32>
        %add3A_520 = arith.addi %iota3A_517, %broadcast_in_dim3A_519 : vector<16xi32>
        %gather3A_521 = tpu.vector_load_idx %arg5[%add3A_520, %broadcast_in_dim3A_516] : memref<64x64xf32, #tpu.memory_space<vmem>>[vector<16xi32>, vector<16xi32>], vector<16xf32>,
        %gt3A_522 = arith.cmpf ogt, %gather3A_521, %select_n3A_471 : vector<16xf32>
        %gt3A_523 = arith.cmpf ogt, %gather3A_521, %select_n3A_468 : vector<16xf32>
        %select_n3A_524 = arith.select %gt3A_523, %gather3A_521, %select_n3A_468 : vector<16xi1>, vector<16xf32>
        %select_n3A_525 = arith.select %gt3A_522, %select_n3A_471, %select_n3A_524 : vector<16xi1>, vector<16xf32>
        %select_n3A_526 = arith.select %gt3A_523, %broadcast_in_dim3A_516, %select_n3A_470 : vector<16xi1>, vector<16xi32>
        %select_n3A_527 = arith.select %gt3A_522, %select_n3A_472, %select_n3A_526 : vector<16xi1>, vector<16xi32>
        %select_n3A_528 = arith.select %gt3A_522, %gather3A_521, %select_n3A_471 : vector<16xi1>, vector<16xf32>
        %select_n3A_529 = arith.select %gt3A_522, %broadcast_in_dim3A_516, %select_n3A_472 : vector<16xi1>, vector<16xi32>
        %iota3A_530 = tpu.iota {dimensions = array<i32: 0>} : vector<16xi32>
        %broadcast_in_dim3A_531 = arith.constant 16 : i32
        %broadcast_in_dim3A_532 = vector.broadcast %broadcast_in_dim3A_531 : i32 to vector<16xi32>
        %add3A_533 = arith.addi %iota3A_530, %broadcast_in_dim3A_532 : vector<16xi32>
        %gather3A_534 = tpu.vector_load_idx %arg5[%add3A_533, %broadcast_in_dim3A_516] : memref<64x64xf32, #tpu.memory_space<vmem>>[vector<16xi32>, vector<16xi32>], vector<16xf32>,
        %gt3A_535 = arith.cmpf ogt, %gather3A_534, %select_n3A_484 : vector<16xf32>
        %gt3A_536 = arith.cmpf ogt, %gather3A_534, %select_n3A_481 : vector<16xf32>
        %select_n3A_537 = arith.select %gt3A_536, %gather3A_534, %select_n3A_481 : vector<16xi1>, vector<16xf32>
        %select_n3A_538 = arith.select %gt3A_535, %select_n3A_484, %select_n3A_537 : vector<16xi1>, vector<16xf32>
        %select_n3A_539 = arith.select %gt3A_536, %broadcast_in_dim3A_516, %select_n3A_483 : vector<16xi1>, vector<16xi32>
        %select_n3A_540 = arith.select %gt3A_535, %select_n3A_485, %select_n3A_539 : vector<16xi1>, vector<16xi32>
        %select_n3A_541 = arith.select %gt3A_535, %gather3A_534, %select_n3A_484 : vector<16xi1>, vector<16xf32>
        %select_n3A_542 = arith.select %gt3A_535, %broadcast_in_dim3A_516, %select_n3A_485 : vector<16xi1>, vector<16xi32>
        %iota3A_543 = tpu.iota {dimensions = array<i32: 0>} : vector<16xi32>
        %broadcast_in_dim3A_544 = arith.constant 32 : i32
        %broadcast_in_dim3A_545 = vector.broadcast %broadcast_in_dim3A_544 : i32 to vector<16xi32>
        %add3A_546 = arith.addi %iota3A_543, %broadcast_in_dim3A_545 : vector<16xi32>
        %gather3A_547 = tpu.vector_load_idx %arg5[%add3A_546, %broadcast_in_dim3A_516] : memref<64x64xf32, #tpu.memory_space<vmem>>[vector<16xi32>, vector<16xi32>], vector<16xf32>,
        %gt3A_548 = arith.cmpf ogt, %gather3A_547, %select_n3A_497 : vector<16xf32>
        %gt3A_549 = arith.cmpf ogt, %gather3A_547, %select_n3A_494 : vector<16xf32>
        %select_n3A_550 = arith.select %gt3A_549, %gather3A_547, %select_n3A_494 : vector<16xi1>, vector<16xf32>
        %select_n3A_551 = arith.select %gt3A_548, %select_n3A_497, %select_n3A_550 : vector<16xi1>, vector<16xf32>
        %select_n3A_552 = arith.select %gt3A_549, %broadcast_in_dim3A_516, %select_n3A_496 : vector<16xi1>, vector<16xi32>
        %select_n3A_553 = arith.select %gt3A_548, %select_n3A_498, %select_n3A_552 : vector<16xi1>, vector<16xi32>
        %select_n3A_554 = arith.select %gt3A_548, %gather3A_547, %select_n3A_497 : vector<16xi1>, vector<16xf32>
        %select_n3A_555 = arith.select %gt3A_548, %broadcast_in_dim3A_516, %select_n3A_498 : vector<16xi1>, vector<16xi32>
        %iota3A_556 = tpu.iota {dimensions = array<i32: 0>} : vector<16xi32>
        %broadcast_in_dim3A_557 = arith.constant 48 : i32
        %broadcast_in_dim3A_558 = vector.broadcast %broadcast_in_dim3A_557 : i32 to vector<16xi32>
        %add3A_559 = arith.addi %iota3A_556, %broadcast_in_dim3A_558 : vector<16xi32>
        %gather3A_560 = tpu.vector_load_idx %arg5[%add3A_559, %broadcast_in_dim3A_516] : memref<64x64xf32, #tpu.memory_space<vmem>>[vector<16xi32>, vector<16xi32>], vector<16xf32>,
        %gt3A_561 = arith.cmpf ogt, %gather3A_560, %select_n3A_510 : vector<16xf32>
        %gt3A_562 = arith.cmpf ogt, %gather3A_560, %select_n3A_507 : vector<16xf32>
        %select_n3A_563 = arith.select %gt3A_562, %gather3A_560, %select_n3A_507 : vector<16xi1>, vector<16xf32>
        %select_n3A_564 = arith.select %gt3A_561, %select_n3A_510, %select_n3A_563 : vector<16xi1>, vector<16xf32>
        %select_n3A_565 = arith.select %gt3A_562, %broadcast_in_dim3A_516, %select_n3A_509 : vector<16xi1>, vector<16xi32>
        %select_n3A_566 = arith.select %gt3A_561, %select_n3A_511, %select_n3A_565 : vector<16xi1>, vector<16xi32>
        %select_n3A_567 = arith.select %gt3A_561, %gather3A_560, %select_n3A_510 : vector<16xi1>, vector<16xf32>
        %select_n3A_568 = arith.select %gt3A_561, %broadcast_in_dim3A_516, %select_n3A_511 : vector<16xi1>, vector<16xi32>
        %mul3A_569 = arith.constant 4 : i32
        %mul3A_570 = arith.muli %scan3A_441, %mul3A_569 : i32
        %add3A_571 = arith.constant 2 : i32
        %add3A_572 = arith.addi %mul3A_570, %add3A_571 : i32
        %broadcast_in_dim3A_573 = vector.broadcast %add3A_572 : i32 to vector<16xi32>
        %iota3A_574 = tpu.iota {dimensions = array<i32: 0>} : vector<16xi32>
        %broadcast_in_dim3A_575 = arith.constant 0 : i32
        %broadcast_in_dim3A_576 = vector.broadcast %broadcast_in_dim3A_575 : i32 to vector<16xi32>
        %add3A_577 = arith.addi %iota3A_574, %broadcast_in_dim3A_576 : vector<16xi32>
        %gather3A_578 = tpu.vector_load_idx %arg5[%add3A_577, %broadcast_in_dim3A_573] : memref<64x64xf32, #tpu.memory_space<vmem>>[vector<16xi32>, vector<16xi32>], vector<16xf32>,
        %gt3A_579 = arith.cmpf ogt, %gather3A_578, %select_n3A_528 : vector<16xf32>
        %gt3A_580 = arith.cmpf ogt, %gather3A_578, %select_n3A_525 : vector<16xf32>
        %select_n3A_581 = arith.select %gt3A_580, %gather3A_578, %select_n3A_525 : vector<16xi1>, vector<16xf32>
        %select_n3A_582 = arith.select %gt3A_579, %select_n3A_528, %select_n3A_581 : vector<16xi1>, vector<16xf32>
        %select_n3A_583 = arith.select %gt3A_580, %broadcast_in_dim3A_573, %select_n3A_527 : vector<16xi1>, vector<16xi32>
        %select_n3A_584 = arith.select %gt3A_579, %select_n3A_529, %select_n3A_583 : vector<16xi1>, vector<16xi32>
        %select_n3A_585 = arith.select %gt3A_579, %gather3A_578, %select_n3A_528 : vector<16xi1>, vector<16xf32>
        %select_n3A_586 = arith.select %gt3A_579, %broadcast_in_dim3A_573, %select_n3A_529 : vector<16xi1>, vector<16xi32>
        %iota3A_587 = tpu.iota {dimensions = array<i32: 0>} : vector<16xi32>
        %broadcast_in_dim3A_588 = arith.constant 16 : i32
        %broadcast_in_dim3A_589 = vector.broadcast %broadcast_in_dim3A_588 : i32 to vector<16xi32>
        %add3A_590 = arith.addi %iota3A_587, %broadcast_in_dim3A_589 : vector<16xi32>
        %gather3A_591 = tpu.vector_load_idx %arg5[%add3A_590, %broadcast_in_dim3A_573] : memref<64x64xf32, #tpu.memory_space<vmem>>[vector<16xi32>, vector<16xi32>], vector<16xf32>,
        %gt3A_592 = arith.cmpf ogt, %gather3A_591, %select_n3A_541 : vector<16xf32>
        %gt3A_593 = arith.cmpf ogt, %gather3A_591, %select_n3A_538 : vector<16xf32>
        %select_n3A_594 = arith.select %gt3A_593, %gather3A_591, %select_n3A_538 : vector<16xi1>, vector<16xf32>
        %select_n3A_595 = arith.select %gt3A_592, %select_n3A_541, %select_n3A_594 : vector<16xi1>, vector<16xf32>
        %select_n3A_596 = arith.select %gt3A_593, %broadcast_in_dim3A_573, %select_n3A_540 : vector<16xi1>, vector<16xi32>
        %select_n3A_597 = arith.select %gt3A_592, %select_n3A_542, %select_n3A_596 : vector<16xi1>, vector<16xi32>
        %select_n3A_598 = arith.select %gt3A_592, %gather3A_591, %select_n3A_541 : vector<16xi1>, vector<16xf32>
        %select_n3A_599 = arith.select %gt3A_592, %broadcast_in_dim3A_573, %select_n3A_542 : vector<16xi1>, vector<16xi32>
        %iota3A_600 = tpu.iota {dimensions = array<i32: 0>} : vector<16xi32>
        %broadcast_in_dim3A_601 = arith.constant 32 : i32
        %broadcast_in_dim3A_602 = vector.broadcast %broadcast_in_dim3A_601 : i32 to vector<16xi32>
        %add3A_603 = arith.addi %iota3A_600, %broadcast_in_dim3A_602 : vector<16xi32>
        %gather3A_604 = tpu.vector_load_idx %arg5[%add3A_603, %broadcast_in_dim3A_573] : memref<64x64xf32, #tpu.memory_space<vmem>>[vector<16xi32>, vector<16xi32>], vector<16xf32>,
        %gt3A_605 = arith.cmpf ogt, %gather3A_604, %select_n3A_554 : vector<16xf32>
        %gt3A_606 = arith.cmpf ogt, %gather3A_604, %select_n3A_551 : vector<16xf32>
        %select_n3A_607 = arith.select %gt3A_606, %gather3A_604, %select_n3A_551 : vector<16xi1>, vector<16xf32>
        %select_n3A_608 = arith.select %gt3A_605, %select_n3A_554, %select_n3A_607 : vector<16xi1>, vector<16xf32>
        %select_n3A_609 = arith.select %gt3A_606, %broadcast_in_dim3A_573, %select_n3A_553 : vector<16xi1>, vector<16xi32>
        %select_n3A_610 = arith.select %gt3A_605, %select_n3A_555, %select_n3A_609 : vector<16xi1>, vector<16xi32>
        %select_n3A_611 = arith.select %gt3A_605, %gather3A_604, %select_n3A_554 : vector<16xi1>, vector<16xf32>
        %select_n3A_612 = arith.select %gt3A_605, %broadcast_in_dim3A_573, %select_n3A_555 : vector<16xi1>, vector<16xi32>
        %iota3A_613 = tpu.iota {dimensions = array<i32: 0>} : vector<16xi32>
        %broadcast_in_dim3A_614 = arith.constant 48 : i32
        %broadcast_in_dim3A_615 = vector.broadcast %broadcast_in_dim3A_614 : i32 to vector<16xi32>
        %add3A_616 = arith.addi %iota3A_613, %broadcast_in_dim3A_615 : vector<16xi32>
        %gather3A_617 = tpu.vector_load_idx %arg5[%add3A_616, %broadcast_in_dim3A_573] : memref<64x64xf32, #tpu.memory_space<vmem>>[vector<16xi32>, vector<16xi32>], vector<16xf32>,
        %gt3A_618 = arith.cmpf ogt, %gather3A_617, %select_n3A_567 : vector<16xf32>
        %gt3A_619 = arith.cmpf ogt, %gather3A_617, %select_n3A_564 : vector<16xf32>
        %select_n3A_620 = arith.select %gt3A_619, %gather3A_617, %select_n3A_564 : vector<16xi1>, vector<16xf32>
        %select_n3A_621 = arith.select %gt3A_618, %select_n3A_567, %select_n3A_620 : vector<16xi1>, vector<16xf32>
        %select_n3A_622 = arith.select %gt3A_619, %broadcast_in_dim3A_573, %select_n3A_566 : vector<16xi1>, vector<16xi32>
        %select_n3A_623 = arith.select %gt3A_618, %select_n3A_568, %select_n3A_622 : vector<16xi1>, vector<16xi32>
        %select_n3A_624 = arith.select %gt3A_618, %gather3A_617, %select_n3A_567 : vector<16xi1>, vector<16xf32>
        %select_n3A_625 = arith.select %gt3A_618, %broadcast_in_dim3A_573, %select_n3A_568 : vector<16xi1>, vector<16xi32>
        %mul3A_626 = arith.constant 4 : i32
        %mul3A_627 = arith.muli %scan3A_441, %mul3A_626 : i32
        %add3A_628 = arith.constant 3 : i32
        %add3A_629 = arith.addi %mul3A_627, %add3A_628 : i32
        %broadcast_in_dim3A_630 = vector.broadcast %add3A_629 : i32 to vector<16xi32>
        %iota3A_631 = tpu.iota {dimensions = array<i32: 0>} : vector<16xi32>
        %broadcast_in_dim3A_632 = arith.constant 0 : i32
        %broadcast_in_dim3A_633 = vector.broadcast %broadcast_in_dim3A_632 : i32 to vector<16xi32>
        %add3A_634 = arith.addi %iota3A_631, %broadcast_in_dim3A_633 : vector<16xi32>
        %gather3A_635 = tpu.vector_load_idx %arg5[%add3A_634, %broadcast_in_dim3A_630] : memref<64x64xf32, #tpu.memory_space<vmem>>[vector<16xi32>, vector<16xi32>], vector<16xf32>,
        %gt3A_636 = arith.cmpf ogt, %gather3A_635, %select_n3A_585 : vector<16xf32>
        %gt3A_637 = arith.cmpf ogt, %gather3A_635, %select_n3A_582 : vector<16xf32>
        %select_n3A_638 = arith.select %gt3A_637, %gather3A_635, %select_n3A_582 : vector<16xi1>, vector<16xf32>
        %select_n3A_639 = arith.select %gt3A_636, %select_n3A_585, %select_n3A_638 : vector<16xi1>, vector<16xf32>
        %select_n3A_640 = arith.select %gt3A_637, %broadcast_in_dim3A_630, %select_n3A_584 : vector<16xi1>, vector<16xi32>
        %select_n3A_641 = arith.select %gt3A_636, %select_n3A_586, %select_n3A_640 : vector<16xi1>, vector<16xi32>
        %select_n3A_642 = arith.select %gt3A_636, %gather3A_635, %select_n3A_585 : vector<16xi1>, vector<16xf32>
        %select_n3A_643 = arith.select %gt3A_636, %broadcast_in_dim3A_630, %select_n3A_586 : vector<16xi1>, vector<16xi32>
        %iota3A_644 = tpu.iota {dimensions = array<i32: 0>} : vector<16xi32>
        %broadcast_in_dim3A_645 = arith.constant 16 : i32
        %broadcast_in_dim3A_646 = vector.broadcast %broadcast_in_dim3A_645 : i32 to vector<16xi32>
        %add3A_647 = arith.addi %iota3A_644, %broadcast_in_dim3A_646 : vector<16xi32>
        %gather3A_648 = tpu.vector_load_idx %arg5[%add3A_647, %broadcast_in_dim3A_630] : memref<64x64xf32, #tpu.memory_space<vmem>>[vector<16xi32>, vector<16xi32>], vector<16xf32>,
        %gt3A_649 = arith.cmpf ogt, %gather3A_648, %select_n3A_598 : vector<16xf32>
        %gt3A_650 = arith.cmpf ogt, %gather3A_648, %select_n3A_595 : vector<16xf32>
        %select_n3A_651 = arith.select %gt3A_650, %gather3A_648, %select_n3A_595 : vector<16xi1>, vector<16xf32>
        %select_n3A_652 = arith.select %gt3A_649, %select_n3A_598, %select_n3A_651 : vector<16xi1>, vector<16xf32>
        %select_n3A_653 = arith.select %gt3A_650, %broadcast_in_dim3A_630, %select_n3A_597 : vector<16xi1>, vector<16xi32>
        %select_n3A_654 = arith.select %gt3A_649, %select_n3A_599, %select_n3A_653 : vector<16xi1>, vector<16xi32>
        %select_n3A_655 = arith.select %gt3A_649, %gather3A_648, %select_n3A_598 : vector<16xi1>, vector<16xf32>
        %select_n3A_656 = arith.select %gt3A_649, %broadcast_in_dim3A_630, %select_n3A_599 : vector<16xi1>, vector<16xi32>
        %iota3A_657 = tpu.iota {dimensions = array<i32: 0>} : vector<16xi32>
        %broadcast_in_dim3A_658 = arith.constant 32 : i32
        %broadcast_in_dim3A_659 = vector.broadcast %broadcast_in_dim3A_658 : i32 to vector<16xi32>
        %add3A_660 = arith.addi %iota3A_657, %broadcast_in_dim3A_659 : vector<16xi32>
        %gather3A_661 = tpu.vector_load_idx %arg5[%add3A_660, %broadcast_in_dim3A_630] : memref<64x64xf32, #tpu.memory_space<vmem>>[vector<16xi32>, vector<16xi32>], vector<16xf32>,
        %gt3A_662 = arith.cmpf ogt, %gather3A_661, %select_n3A_611 : vector<16xf32>
        %gt3A_663 = arith.cmpf ogt, %gather3A_661, %select_n3A_608 : vector<16xf32>
        %select_n3A_664 = arith.select %gt3A_663, %gather3A_661, %select_n3A_608 : vector<16xi1>, vector<16xf32>
        %select_n3A_665 = arith.select %gt3A_662, %select_n3A_611, %select_n3A_664 : vector<16xi1>, vector<16xf32>
        %select_n3A_666 = arith.select %gt3A_663, %broadcast_in_dim3A_630, %select_n3A_610 : vector<16xi1>, vector<16xi32>
        %select_n3A_667 = arith.select %gt3A_662, %select_n3A_612, %select_n3A_666 : vector<16xi1>, vector<16xi32>
        %select_n3A_668 = arith.select %gt3A_662, %gather3A_661, %select_n3A_611 : vector<16xi1>, vector<16xf32>
        %select_n3A_669 = arith.select %gt3A_662, %broadcast_in_dim3A_630, %select_n3A_612 : vector<16xi1>, vector<16xi32>
        %iota3A_670 = tpu.iota {dimensions = array<i32: 0>} : vector<16xi32>
        %broadcast_in_dim3A_671 = arith.constant 48 : i32
        %broadcast_in_dim3A_672 = vector.broadcast %broadcast_in_dim3A_671 : i32 to vector<16xi32>
        %add3A_673 = arith.addi %iota3A_670, %broadcast_in_dim3A_672 : vector<16xi32>
        %gather3A_674 = tpu.vector_load_idx %arg5[%add3A_673, %broadcast_in_dim3A_630] : memref<64x64xf32, #tpu.memory_space<vmem>>[vector<16xi32>, vector<16xi32>], vector<16xf32>,
        %gt3A_675 = arith.cmpf ogt, %gather3A_674, %select_n3A_624 : vector<16xf32>
        %gt3A_676 = arith.cmpf ogt, %gather3A_674, %select_n3A_621 : vector<16xf32>
        %select_n3A_677 = arith.select %gt3A_676, %gather3A_674, %select_n3A_621 : vector<16xi1>, vector<16xf32>
        %select_n3A_678 = arith.select %gt3A_675, %select_n3A_624, %select_n3A_677 : vector<16xi1>, vector<16xf32>
        %select_n3A_679 = arith.select %gt3A_676, %broadcast_in_dim3A_630, %select_n3A_623 : vector<16xi1>, vector<16xi32>
        %select_n3A_680 = arith.select %gt3A_675, %select_n3A_625, %select_n3A_679 : vector<16xi1>, vector<16xi32>
        %select_n3A_681 = arith.select %gt3A_675, %gather3A_674, %select_n3A_624 : vector<16xi1>, vector<16xf32>
        %select_n3A_682 = arith.select %gt3A_675, %broadcast_in_dim3A_630, %select_n3A_625 : vector<16xi1>, vector<16xi32>
        scf.yield %select_n3A_642, %select_n3A_655, %select_n3A_668, %select_n3A_681, %select_n3A_643, %select_n3A_656, %select_n3A_669, %select_n3A_682, %select_n3A_639, %select_n3A_652, %select_n3A_665, %select_n3A_678, %select_n3A_641, %select_n3A_654, %select_n3A_667, %select_n3A_680 : vector<16xf32>, vector<16xf32>, vector<16xf32>, vector<16xf32>, vector<16xi32>, vector<16xi32>, vector<16xi32>, vector<16xi32>, vector<16xf32>, vector<16xf32>, vector<16xf32>, vector<16xf32>, vector<16xi32>, vector<16xi32>, vector<16xi32>, vector<16xi32>
      }
      %scan3A_23 = arith.constant 16 : i32
      %iota3A = tpu.iota {dimensions = array<i32: 0>} : vector<16xi32>
      %broadcast_in_dim3A_24 = arith.constant 0 : i32
      %broadcast_in_dim3A_25 = vector.broadcast %broadcast_in_dim3A_24 : i32 to vector<16xi32>
      %add3A = arith.addi %iota3A, %broadcast_in_dim3A_25 : vector<16xi32>
      %sub3A = arith.subf %scan3A_22#8, %scan3A_22#0 : vector<16xf32>
      %exp3A = math.exp %sub3A : vector<16xf32>
      %add3A_26 = arith.constant 1.000000e+00 : f32
      %add3A_27 = vector.broadcast %add3A_26 : f32 to vector<16xf32>
      %add3A_28 = arith.addf %add3A_27, %exp3A : vector<16xf32>
      %div3A = arith.constant 1.000000e+00 : f32
      %div3A_29 = vector.broadcast %div3A : f32 to vector<16xf32>
      %div3A_30 = arith.divf %div3A_29, %add3A_28 : vector<16xf32>
      %add3A_31 = arith.constant 1.000000e+00 : f32
      %add3A_32 = vector.broadcast %add3A_31 : f32 to vector<16xf32>
      %add3A_33 = arith.addf %add3A_32, %exp3A : vector<16xf32>
      %div3A_34 = arith.divf %exp3A, %add3A_33 : vector<16xf32>
      tpu.vector_store_idx %arg6[%add3A, %scan3A_22#4], %div3A_30 : memref<64x64xf32, #tpu.memory_space<vmem>>[vector<16xi32>, vector<16xi32>], vector<16xf32>,
      tpu.vector_store_idx %arg6[%add3A, %scan3A_22#12], %div3A_34 : memref<64x64xf32, #tpu.memory_space<vmem>>[vector<16xi32>, vector<16xi32>], vector<16xf32>,
      %iota3A_35 = tpu.iota {dimensions = array<i32: 0>} : vector<16xi32>
      %broadcast_in_dim3A_36 = arith.constant 16 : i32
      %broadcast_in_dim3A_37 = vector.broadcast %broadcast_in_dim3A_36 : i32 to vector<16xi32>
      %add3A_38 = arith.addi %iota3A_35, %broadcast_in_dim3A_37 : vector<16xi32>
      %sub3A_39 = arith.subf %scan3A_22#9, %scan3A_22#1 : vector<16xf32>
      %exp3A_40 = math.exp %sub3A_39 : vector<16xf32>
      %add3A_41 = arith.constant 1.000000e+00 : f32
      %add3A_42 = vector.broadcast %add3A_41 : f32 to vector<16xf32>
      %add3A_43 = arith.addf %add3A_42, %exp3A_40 : vector<16xf32>
      %div3A_44 = arith.constant 1.000000e+00 : f32
      %div3A_45 = vector.broadcast %div3A_44 : f32 to vector<16xf32>
      %div3A_46 = arith.divf %div3A_45, %add3A_43 : vector<16xf32>
      %add3A_47 = arith.constant 1.000000e+00 : f32
      %add3A_48 = vector.broadcast %add3A_47 : f32 to vector<16xf32>
      %add3A_49 = arith.addf %add3A_48, %exp3A_40 : vector<16xf32>
      %div3A_50 = arith.divf %exp3A_40, %add3A_49 : vector<16xf32>
      tpu.vector_store_idx %arg6[%add3A_38, %scan3A_22#5], %div3A_46 : memref<64x64xf32, #tpu.memory_space<vmem>>[vector<16xi32>, vector<16xi32>], vector<16xf32>,
      tpu.vector_store_idx %arg6[%add3A_38, %scan3A_22#13], %div3A_50 : memref<64x64xf32, #tpu.memory_space<vmem>>[vector<16xi32>, vector<16xi32>], vector<16xf32>,
      %iota3A_51 = tpu.iota {dimensions = array<i32: 0>} : vector<16xi32>
      %broadcast_in_dim3A_52 = arith.constant 32 : i32
      %broadcast_in_dim3A_53 = vector.broadcast %broadcast_in_dim3A_52 : i32 to vector<16xi32>
      %add3A_54 = arith.addi %iota3A_51, %broadcast_in_dim3A_53 : vector<16xi32>
      %sub3A_55 = arith.subf %scan3A_22#10, %scan3A_22#2 : vector<16xf32>
      %exp3A_56 = math.exp %sub3A_55 : vector<16xf32>
      %add3A_57 = arith.constant 1.000000e+00 : f32
      %add3A_58 = vector.broadcast %add3A_57 : f32 to vector<16xf32>
      %add3A_59 = arith.addf %add3A_58, %exp3A_56 : vector<16xf32>
      %div3A_60 = arith.constant 1.000000e+00 : f32
      %div3A_61 = vector.broadcast %div3A_60 : f32 to vector<16xf32>
      %div3A_62 = arith.divf %div3A_61, %add3A_59 : vector<16xf32>
      %add3A_63 = arith.constant 1.000000e+00 : f32
      %add3A_64 = vector.broadcast %add3A_63 : f32 to vector<16xf32>
      %add3A_65 = arith.addf %add3A_64, %exp3A_56 : vector<16xf32>
      %div3A_66 = arith.divf %exp3A_56, %add3A_65 : vector<16xf32>
      tpu.vector_store_idx %arg6[%add3A_54, %scan3A_22#6], %div3A_62 : memref<64x64xf32, #tpu.memory_space<vmem>>[vector<16xi32>, vector<16xi32>], vector<16xf32>,
      tpu.vector_store_idx %arg6[%add3A_54, %scan3A_22#14], %div3A_66 : memref<64x64xf32, #tpu.memory_space<vmem>>[vector<16xi32>, vector<16xi32>], vector<16xf32>,
      %iota3A_67 = tpu.iota {dimensions = array<i32: 0>} : vector<16xi32>
      %broadcast_in_dim3A_68 = arith.constant 48 : i32
      %broadcast_in_dim3A_69 = vector.broadcast %broadcast_in_dim3A_68 : i32 to vector<16xi32>
      %add3A_70 = arith.addi %iota3A_67, %broadcast_in_dim3A_69 : vector<16xi32>
      %sub3A_71 = arith.subf %scan3A_22#11, %scan3A_22#3 : vector<16xf32>
      %exp3A_72 = math.exp %sub3A_71 : vector<16xf32>
      %add3A_73 = arith.constant 1.000000e+00 : f32
      %add3A_74 = vector.broadcast %add3A_73 : f32 to vector<16xf32>
      %add3A_75 = arith.addf %add3A_74, %exp3A_72 : vector<16xf32>
      %div3A_76 = arith.constant 1.000000e+00 : f32
      %div3A_77 = vector.broadcast %div3A_76 : f32 to vector<16xf32>
      %div3A_78 = arith.divf %div3A_77, %add3A_75 : vector<16xf32>
      %add3A_79 = arith.constant 1.000000e+00 : f32
      %add3A_80 = vector.broadcast %add3A_79 : f32 to vector<16xf32>
      %add3A_81 = arith.addf %add3A_80, %exp3A_72 : vector<16xf32>
      %div3A_82 = arith.divf %exp3A_72, %add3A_81 : vector<16xf32>
      tpu.vector_store_idx %arg6[%add3A_70, %scan3A_22#7], %div3A_78 : memref<64x64xf32, #tpu.memory_space<vmem>>[vector<16xi32>, vector<16xi32>], vector<16xf32>,
      tpu.vector_store_idx %arg6[%add3A_70, %scan3A_22#15], %div3A_82 : memref<64x64xf32, #tpu.memory_space<vmem>>[vector<16xi32>, vector<16xi32>], vector<16xf32>,
      "tpu.region"() ({
        %run_scoped3A = tpu.sem_alloc : memref<!tpu.dma_semaphore, #tpu.memory_space<semaphore_mem>>
        tpu.enqueue_dma source(%arg6 : memref<64x64xf32, #tpu.memory_space<vmem>>) target(%arg3 : memref<64x64xf32, #tpu.memory_space<hbm>>) target_semaphore(%run_scoped3A : memref<!tpu.dma_semaphore, #tpu.memory_space<semaphore_mem>>)
        tpu.wait_dma2 semaphore(%run_scoped3A : memref<!tpu.dma_semaphore, #tpu.memory_space<semaphore_mem>>) src(%arg6 : memref<64x64xf32, #tpu.memory_space<vmem>>) dst(%arg3 : memref<64x64xf32, #tpu.memory_space<hbm>>)
        tpu.yield
      }) : () -> ()
      %swap3A = arith.constant 0 : index
      %swap3A_83 = tpu.vector_load %arg8[%swap3A] {strides = array<i32>} : memref<64xi32, #tpu.memory_space<vmem>>, vector<16xi32>,
      tpu.vector_store %arg8[%swap3A], %broadcast_in_dim3A_2 {strides = array<i32>} : memref<64xi32, #tpu.memory_space<vmem>>, vector<16xi32>,
      %swap3A_84 = arith.constant 16 : index
      %swap3A_85 = tpu.vector_load %arg8[%swap3A_84] {strides = array<i32>} : memref<64xi32, #tpu.memory_space<vmem>>, vector<16xi32>,
      tpu.vector_store %arg8[%swap3A_84], %broadcast_in_dim3A_2 {strides = array<i32>} : memref<64xi32, #tpu.memory_space<vmem>>, vector<16xi32>,
      %swap3A_86 = arith.constant 32 : index
      %swap3A_87 = tpu.vector_load %arg8[%swap3A_86] {strides = array<i32>} : memref<64xi32, #tpu.memory_space<vmem>>, vector<16xi32>,
      tpu.vector_store %arg8[%swap3A_86], %broadcast_in_dim3A_2 {strides = array<i32>} : memref<64xi32, #tpu.memory_space<vmem>>, vector<16xi32>,
      %swap3A_88 = arith.constant 48 : index
      %swap3A_89 = tpu.vector_load %arg8[%swap3A_88] {strides = array<i32>} : memref<64xi32, #tpu.memory_space<vmem>>, vector<16xi32>,
      tpu.vector_store %arg8[%swap3A_88], %broadcast_in_dim3A_2 {strides = array<i32>} : memref<64xi32, #tpu.memory_space<vmem>>, vector<16xi32>,
      tpu.vector_store_idx %arg8[%scan3A_22#4], %broadcast_in_dim3A_0 : memref<64xi32, #tpu.memory_space<vmem>>[vector<16xi32>], vector<16xi32>,
      tpu.vector_store_idx %arg8[%scan3A_22#12], %broadcast_in_dim3A_0 : memref<64xi32, #tpu.memory_space<vmem>>[vector<16xi32>], vector<16xi32>,
      tpu.vector_store_idx %arg8[%scan3A_22#5], %broadcast_in_dim3A_0 : memref<64xi32, #tpu.memory_space<vmem>>[vector<16xi32>], vector<16xi32>,
      tpu.vector_store_idx %arg8[%scan3A_22#13], %broadcast_in_dim3A_0 : memref<64xi32, #tpu.memory_space<vmem>>[vector<16xi32>], vector<16xi32>,
      tpu.vector_store_idx %arg8[%scan3A_22#6], %broadcast_in_dim3A_0 : memref<64xi32, #tpu.memory_space<vmem>>[vector<16xi32>], vector<16xi32>,
      tpu.vector_store_idx %arg8[%scan3A_22#14], %broadcast_in_dim3A_0 : memref<64xi32, #tpu.memory_space<vmem>>[vector<16xi32>], vector<16xi32>,
      tpu.vector_store_idx %arg8[%scan3A_22#7], %broadcast_in_dim3A_0 : memref<64xi32, #tpu.memory_space<vmem>>[vector<16xi32>], vector<16xi32>,
      tpu.vector_store_idx %arg8[%scan3A_22#15], %broadcast_in_dim3A_0 : memref<64xi32, #tpu.memory_space<vmem>>[vector<16xi32>], vector<16xi32>,
      %get3A = arith.constant 0 : index
      %get3A_90 = tpu.vector_load %arg8[%get3A] {strides = array<i32>} : memref<64xi32, #tpu.memory_space<vmem>>, vector<16xi32>,
      %get3A_91 = arith.constant 16 : index
      %get3A_92 = tpu.vector_load %arg8[%get3A_91] {strides = array<i32>} : memref<64xi32, #tpu.memory_space<vmem>>, vector<16xi32>,
      %get3A_93 = arith.constant 32 : index
      %get3A_94 = tpu.vector_load %arg8[%get3A_93] {strides = array<i32>} : memref<64xi32, #tpu.memory_space<vmem>>, vector<16xi32>,
      %get3A_95 = arith.constant 48 : index
      %get3A_96 = tpu.vector_load %arg8[%get3A_95] {strides = array<i32>} : memref<64xi32, #tpu.memory_space<vmem>>, vector<16xi32>,
      %eq3A_97 = arith.constant 1 : i32
      %eq3A_98 = vector.broadcast %eq3A_97 : i32 to vector<16xi32>
      %eq3A_99 = arith.cmpi eq, %get3A_90, %eq3A_98 : vector<16xi32>
      %iota3A_100 = tpu.iota {dimensions = array<i32: 0>} : vector<16xi32>
      %broadcast_in_dim3A_101 = arith.constant 0 : i32
      %broadcast_in_dim3A_102 = vector.broadcast %broadcast_in_dim3A_101 : i32 to vector<16xi32>
      %add3A_103 = arith.addi %iota3A_100, %broadcast_in_dim3A_102 : vector<16xi32>
      %broadcast_in_dim3A_104 = arith.constant -1 : i32
      %broadcast_in_dim3A_105 = vector.broadcast %broadcast_in_dim3A_104 : i32 to vector<16xi32>
      %select_n3A = arith.select %eq3A_99, %add3A_103, %broadcast_in_dim3A_105 : vector<16xi1>, vector<16xi32>
      %reduce_max3A = arith.constant true
      %reduce_max3A_106 = vector.broadcast %reduce_max3A : i1 to vector<16xi1>
      %reduce_max3A_107 = arith.constant -2147483648 : i32
      %reduce_max3A_108 = vector.broadcast %reduce_max3A_107 : i32 to vector<16xi32>
      %reduce_max3A_109 = arith.xori %select_n3A, %reduce_max3A_108 : vector<16xi32>
      %reduce_max3A_110 = tpu.scan <max>, %reduce_max3A_109 masked %reduce_max3A_106 : vector<16xi32>, vector<16xi1> -> vector<16xi32>
      %reduce_max3A_111 = arith.xori %reduce_max3A_110, %reduce_max3A_108 : vector<16xi32>
      %reduce_max3A_112 = vector.extract %reduce_max3A_111[15] : i32 from vector<16xi32>
      %eq3A_113 = arith.constant 1 : i32
      %eq3A_114 = vector.broadcast %eq3A_113 : i32 to vector<16xi32>
      %eq3A_115 = arith.cmpi eq, %get3A_92, %eq3A_114 : vector<16xi32>
      %iota3A_116 = tpu.iota {dimensions = array<i32: 0>} : vector<16xi32>
      %broadcast_in_dim3A_117 = arith.constant 16 : i32
      %broadcast_in_dim3A_118 = vector.broadcast %broadcast_in_dim3A_117 : i32 to vector<16xi32>
      %add3A_119 = arith.addi %iota3A_116, %broadcast_in_dim3A_118 : vector<16xi32>
      %broadcast_in_dim3A_120 = arith.constant -1 : i32
      %broadcast_in_dim3A_121 = vector.broadcast %broadcast_in_dim3A_120 : i32 to vector<16xi32>
      %select_n3A_122 = arith.select %eq3A_115, %add3A_119, %broadcast_in_dim3A_121 : vector<16xi1>, vector<16xi32>
      %reduce_max3A_123 = arith.constant true
      %reduce_max3A_124 = vector.broadcast %reduce_max3A_123 : i1 to vector<16xi1>
      %reduce_max3A_125 = arith.constant -2147483648 : i32
      %reduce_max3A_126 = vector.broadcast %reduce_max3A_125 : i32 to vector<16xi32>
      %reduce_max3A_127 = arith.xori %select_n3A_122, %reduce_max3A_126 : vector<16xi32>
      %reduce_max3A_128 = tpu.scan <max>, %reduce_max3A_127 masked %reduce_max3A_124 : vector<16xi32>, vector<16xi1> -> vector<16xi32>
      %reduce_max3A_129 = arith.xori %reduce_max3A_128, %reduce_max3A_126 : vector<16xi32>
      %reduce_max3A_130 = vector.extract %reduce_max3A_129[15] : i32 from vector<16xi32>
      %eq3A_131 = arith.constant 1 : i32
      %eq3A_132 = vector.broadcast %eq3A_131 : i32 to vector<16xi32>
      %eq3A_133 = arith.cmpi eq, %get3A_94, %eq3A_132 : vector<16xi32>
      %iota3A_134 = tpu.iota {dimensions = array<i32: 0>} : vector<16xi32>
      %broadcast_in_dim3A_135 = arith.constant 32 : i32
      %broadcast_in_dim3A_136 = vector.broadcast %broadcast_in_dim3A_135 : i32 to vector<16xi32>
      %add3A_137 = arith.addi %iota3A_134, %broadcast_in_dim3A_136 : vector<16xi32>
      %broadcast_in_dim3A_138 = arith.constant -1 : i32
      %broadcast_in_dim3A_139 = vector.broadcast %broadcast_in_dim3A_138 : i32 to vector<16xi32>
      %select_n3A_140 = arith.select %eq3A_133, %add3A_137, %broadcast_in_dim3A_139 : vector<16xi1>, vector<16xi32>
      %reduce_max3A_141 = arith.constant true
      %reduce_max3A_142 = vector.broadcast %reduce_max3A_141 : i1 to vector<16xi1>
      %reduce_max3A_143 = arith.constant -2147483648 : i32
      %reduce_max3A_144 = vector.broadcast %reduce_max3A_143 : i32 to vector<16xi32>
      %reduce_max3A_145 = arith.xori %select_n3A_140, %reduce_max3A_144 : vector<16xi32>
      %reduce_max3A_146 = tpu.scan <max>, %reduce_max3A_145 masked %reduce_max3A_142 : vector<16xi32>, vector<16xi1> -> vector<16xi32>
      %reduce_max3A_147 = arith.xori %reduce_max3A_146, %reduce_max3A_144 : vector<16xi32>
      %reduce_max3A_148 = vector.extract %reduce_max3A_147[15] : i32 from vector<16xi32>
      %eq3A_149 = arith.constant 1 : i32
      %eq3A_150 = vector.broadcast %eq3A_149 : i32 to vector<16xi32>
      %eq3A_151 = arith.cmpi eq, %get3A_96, %eq3A_150 : vector<16xi32>
      %iota3A_152 = tpu.iota {dimensions = array<i32: 0>} : vector<16xi32>
      %broadcast_in_dim3A_153 = arith.constant 48 : i32
      %broadcast_in_dim3A_154 = vector.broadcast %broadcast_in_dim3A_153 : i32 to vector<16xi32>
      %add3A_155 = arith.addi %iota3A_152, %broadcast_in_dim3A_154 : vector<16xi32>
      %broadcast_in_dim3A_156 = arith.constant -1 : i32
      %broadcast_in_dim3A_157 = vector.broadcast %broadcast_in_dim3A_156 : i32 to vector<16xi32>
      %select_n3A_158 = arith.select %eq3A_151, %add3A_155, %broadcast_in_dim3A_157 : vector<16xi1>, vector<16xi32>
      %reduce_max3A_159 = arith.constant true
      %reduce_max3A_160 = vector.broadcast %reduce_max3A_159 : i1 to vector<16xi1>
      %reduce_max3A_161 = arith.constant -2147483648 : i32
      %reduce_max3A_162 = vector.broadcast %reduce_max3A_161 : i32 to vector<16xi32>
      %reduce_max3A_163 = arith.xori %select_n3A_158, %reduce_max3A_162 : vector<16xi32>
      %reduce_max3A_164 = tpu.scan <max>, %reduce_max3A_163 masked %reduce_max3A_160 : vector<16xi32>, vector<16xi1> -> vector<16xi32>
      %reduce_max3A_165 = arith.xori %reduce_max3A_164, %reduce_max3A_162 : vector<16xi32>
      %reduce_max3A_166 = vector.extract %reduce_max3A_165[15] : i32 from vector<16xi32>
      %max3A = arith.maxsi %reduce_max3A_112, %reduce_max3A_130 : i32
      %max3A_167 = arith.maxsi %reduce_max3A_148, %reduce_max3A_166 : i32
      %max3A_168 = arith.maxsi %max3A, %max3A_167 : i32
      %broadcast_in_dim3A_169 = vector.broadcast %max3A_168 : i32 to vector<16xi32>
      %swap3A_170 = arith.constant 0 : index
      %swap3A_171 = tpu.vector_load %arg8[%swap3A_170] {strides = array<i32>} : memref<64xi32, #tpu.memory_space<vmem>>, vector<16xi32>,
      tpu.vector_store %arg8[%swap3A_170], %broadcast_in_dim3A_169 {strides = array<i32>} : memref<64xi32, #tpu.memory_space<vmem>>, vector<16xi32>,
      %broadcast_in_dim3A_172 = vector.broadcast %max3A_168 : i32 to vector<16xi32>
      %swap3A_173 = arith.constant 16 : index
      %swap3A_174 = tpu.vector_load %arg8[%swap3A_173] {strides = array<i32>} : memref<64xi32, #tpu.memory_space<vmem>>, vector<16xi32>,
      tpu.vector_store %arg8[%swap3A_173], %broadcast_in_dim3A_172 {strides = array<i32>} : memref<64xi32, #tpu.memory_space<vmem>>, vector<16xi32>,
      %broadcast_in_dim3A_175 = vector.broadcast %max3A_168 : i32 to vector<16xi32>
      %swap3A_176 = arith.constant 32 : index
      %swap3A_177 = tpu.vector_load %arg8[%swap3A_176] {strides = array<i32>} : memref<64xi32, #tpu.memory_space<vmem>>, vector<16xi32>,
      tpu.vector_store %arg8[%swap3A_176], %broadcast_in_dim3A_175 {strides = array<i32>} : memref<64xi32, #tpu.memory_space<vmem>>, vector<16xi32>,
      %broadcast_in_dim3A_178 = vector.broadcast %max3A_168 : i32 to vector<16xi32>
      %swap3A_179 = arith.constant 48 : index
      %swap3A_180 = tpu.vector_load %arg8[%swap3A_179] {strides = array<i32>} : memref<64xi32, #tpu.memory_space<vmem>>, vector<16xi32>,
      tpu.vector_store %arg8[%swap3A_179], %broadcast_in_dim3A_178 {strides = array<i32>} : memref<64xi32, #tpu.memory_space<vmem>>, vector<16xi32>,
      %eq3A_181 = arith.constant 1 : i32
      %eq3A_182 = vector.broadcast %eq3A_181 : i32 to vector<16xi32>
      %eq3A_183 = arith.cmpi eq, %get3A_90, %eq3A_182 : vector<16xi32>
      %broadcast_in_dim3A_184 = arith.constant true
      %broadcast_in_dim3A_185 = vector.broadcast %broadcast_in_dim3A_184 : i1 to vector<16xi1>
      %masked_cumsum3A = tpu.scan <sum>, %get3A_90 masked %broadcast_in_dim3A_185 : vector<16xi32>, vector<16xi1> -> vector<16xi32>
      %sub3A_186 = arith.constant 1 : i32
      %sub3A_187 = vector.broadcast %sub3A_186 : i32 to vector<16xi32>
      %sub3A_188 = arith.subi %masked_cumsum3A, %sub3A_187 : vector<16xi32>
      %add3A_189 = arith.constant 0 : i32
      %add3A_190 = vector.broadcast %add3A_189 : i32 to vector<16xi32>
      %add3A_191 = arith.addi %sub3A_188, %add3A_190 : vector<16xi32>
      %broadcast_in_dim3A_192 = arith.constant 0 : i32
      %broadcast_in_dim3A_193 = vector.broadcast %broadcast_in_dim3A_192 : i32 to vector<16xi32>
      %select_n3A_194 = arith.select %eq3A_183, %add3A_191, %broadcast_in_dim3A_193 : vector<16xi1>, vector<16xi32>
      %iota3A_195 = tpu.iota {dimensions = array<i32: 0>} : vector<16xi32>
      %broadcast_in_dim3A_196 = arith.constant 0 : i32
      %broadcast_in_dim3A_197 = vector.broadcast %broadcast_in_dim3A_196 : i32 to vector<16xi32>
      %add3A_198 = arith.addi %iota3A_195, %broadcast_in_dim3A_197 : vector<16xi32>
      tpu.vector_store_idx %arg8[%select_n3A_194], %add3A_198 masked %eq3A_183 : memref<64xi32, #tpu.memory_space<vmem>>[vector<16xi32>], vector<16xi32>, vector<16xi1>
      %reduce_sum3A = arith.constant true
      %reduce_sum3A_199 = vector.broadcast %reduce_sum3A : i1 to vector<16xi1>
      %reduce_sum3A_200 = tpu.scan <sum>, %get3A_90 masked %reduce_sum3A_199 : vector<16xi32>, vector<16xi1> -> vector<16xi32>
      %reduce_sum3A_201 = vector.extract %reduce_sum3A_200[15] : i32 from vector<16xi32>
      %add3A_202 = arith.constant 0 : i32
      %add3A_203 = arith.addi %add3A_202, %reduce_sum3A_201 : i32
      %add3A_204 = arith.constant 0 : i32
      %add3A_205 = arith.addi %add3A_204, %reduce_sum3A_201 : i32
      %eq3A_206 = arith.constant 1 : i32
      %eq3A_207 = vector.broadcast %eq3A_206 : i32 to vector<16xi32>
      %eq3A_208 = arith.cmpi eq, %get3A_92, %eq3A_207 : vector<16xi32>
      %broadcast_in_dim3A_209 = arith.constant true
      %broadcast_in_dim3A_210 = vector.broadcast %broadcast_in_dim3A_209 : i1 to vector<16xi1>
      %masked_cumsum3A_211 = tpu.scan <sum>, %get3A_92 masked %broadcast_in_dim3A_210 : vector<16xi32>, vector<16xi1> -> vector<16xi32>
      %sub3A_212 = arith.constant 1 : i32
      %sub3A_213 = vector.broadcast %sub3A_212 : i32 to vector<16xi32>
      %sub3A_214 = arith.subi %masked_cumsum3A_211, %sub3A_213 : vector<16xi32>
      %add3A_215 = vector.broadcast %add3A_203 : i32 to vector<16xi32>
      %add3A_216 = arith.addi %sub3A_214, %add3A_215 : vector<16xi32>
      %broadcast_in_dim3A_217 = arith.constant 0 : i32
      %broadcast_in_dim3A_218 = vector.broadcast %broadcast_in_dim3A_217 : i32 to vector<16xi32>
      %select_n3A_219 = arith.select %eq3A_208, %add3A_216, %broadcast_in_dim3A_218 : vector<16xi1>, vector<16xi32>
      %iota3A_220 = tpu.iota {dimensions = array<i32: 0>} : vector<16xi32>
      %broadcast_in_dim3A_221 = arith.constant 16 : i32
      %broadcast_in_dim3A_222 = vector.broadcast %broadcast_in_dim3A_221 : i32 to vector<16xi32>
      %add3A_223 = arith.addi %iota3A_220, %broadcast_in_dim3A_222 : vector<16xi32>
      tpu.vector_store_idx %arg8[%select_n3A_219], %add3A_223 masked %eq3A_208 : memref<64xi32, #tpu.memory_space<vmem>>[vector<16xi32>], vector<16xi32>, vector<16xi1>
      %reduce_sum3A_224 = arith.constant true
      %reduce_sum3A_225 = vector.broadcast %reduce_sum3A_224 : i1 to vector<16xi1>
      %reduce_sum3A_226 = tpu.scan <sum>, %get3A_92 masked %reduce_sum3A_225 : vector<16xi32>, vector<16xi1> -> vector<16xi32>
      %reduce_sum3A_227 = vector.extract %reduce_sum3A_226[15] : i32 from vector<16xi32>
      %add3A_228 = arith.addi %add3A_203, %reduce_sum3A_227 : i32
      %add3A_229 = arith.addi %add3A_205, %reduce_sum3A_227 : i32
      %eq3A_230 = arith.constant 1 : i32
      %eq3A_231 = vector.broadcast %eq3A_230 : i32 to vector<16xi32>
      %eq3A_232 = arith.cmpi eq, %get3A_94, %eq3A_231 : vector<16xi32>
      %broadcast_in_dim3A_233 = arith.constant true
      %broadcast_in_dim3A_234 = vector.broadcast %broadcast_in_dim3A_233 : i1 to vector<16xi1>
      %masked_cumsum3A_235 = tpu.scan <sum>, %get3A_94 masked %broadcast_in_dim3A_234 : vector<16xi32>, vector<16xi1> -> vector<16xi32>
      %sub3A_236 = arith.constant 1 : i32
      %sub3A_237 = vector.broadcast %sub3A_236 : i32 to vector<16xi32>
      %sub3A_238 = arith.subi %masked_cumsum3A_235, %sub3A_237 : vector<16xi32>
      %add3A_239 = vector.broadcast %add3A_228 : i32 to vector<16xi32>
      %add3A_240 = arith.addi %sub3A_238, %add3A_239 : vector<16xi32>
      %broadcast_in_dim3A_241 = arith.constant 0 : i32
      %broadcast_in_dim3A_242 = vector.broadcast %broadcast_in_dim3A_241 : i32 to vector<16xi32>
      %select_n3A_243 = arith.select %eq3A_232, %add3A_240, %broadcast_in_dim3A_242 : vector<16xi1>, vector<16xi32>
      %iota3A_244 = tpu.iota {dimensions = array<i32: 0>} : vector<16xi32>
      %broadcast_in_dim3A_245 = arith.constant 32 : i32
      %broadcast_in_dim3A_246 = vector.broadcast %broadcast_in_dim3A_245 : i32 to vector<16xi32>
      %add3A_247 = arith.addi %iota3A_244, %broadcast_in_dim3A_246 : vector<16xi32>
      tpu.vector_store_idx %arg8[%select_n3A_243], %add3A_247 masked %eq3A_232 : memref<64xi32, #tpu.memory_space<vmem>>[vector<16xi32>], vector<16xi32>, vector<16xi1>
      %reduce_sum3A_248 = arith.constant true
      %reduce_sum3A_249 = vector.broadcast %reduce_sum3A_248 : i1 to vector<16xi1>
      %reduce_sum3A_250 = tpu.scan <sum>, %get3A_94 masked %reduce_sum3A_249 : vector<16xi32>, vector<16xi1> -> vector<16xi32>
      %reduce_sum3A_251 = vector.extract %reduce_sum3A_250[15] : i32 from vector<16xi32>
      %add3A_252 = arith.addi %add3A_228, %reduce_sum3A_251 : i32
      %add3A_253 = arith.addi %add3A_229, %reduce_sum3A_251 : i32
      %eq3A_254 = arith.constant 1 : i32
      %eq3A_255 = vector.broadcast %eq3A_254 : i32 to vector<16xi32>
      %eq3A_256 = arith.cmpi eq, %get3A_96, %eq3A_255 : vector<16xi32>
      %broadcast_in_dim3A_257 = arith.constant true
      %broadcast_in_dim3A_258 = vector.broadcast %broadcast_in_dim3A_257 : i1 to vector<16xi1>
      %masked_cumsum3A_259 = tpu.scan <sum>, %get3A_96 masked %broadcast_in_dim3A_258 : vector<16xi32>, vector<16xi1> -> vector<16xi32>
      %sub3A_260 = arith.constant 1 : i32
      %sub3A_261 = vector.broadcast %sub3A_260 : i32 to vector<16xi32>
      %sub3A_262 = arith.subi %masked_cumsum3A_259, %sub3A_261 : vector<16xi32>
      %add3A_263 = vector.broadcast %add3A_252 : i32 to vector<16xi32>
      %add3A_264 = arith.addi %sub3A_262, %add3A_263 : vector<16xi32>
      %broadcast_in_dim3A_265 = arith.constant 0 : i32
      %broadcast_in_dim3A_266 = vector.broadcast %broadcast_in_dim3A_265 : i32 to vector<16xi32>
      %select_n3A_267 = arith.select %eq3A_256, %add3A_264, %broadcast_in_dim3A_266 : vector<16xi1>, vector<16xi32>
      %iota3A_268 = tpu.iota {dimensions = array<i32: 0>} : vector<16xi32>
      %broadcast_in_dim3A_269 = arith.constant 48 : i32
      %broadcast_in_dim3A_270 = vector.broadcast %broadcast_in_dim3A_269 : i32 to vector<16xi32>
      %add3A_271 = arith.addi %iota3A_268, %broadcast_in_dim3A_270 : vector<16xi32>
      tpu.vector_store_idx %arg8[%select_n3A_267], %add3A_271 masked %eq3A_256 : memref<64xi32, #tpu.memory_space<vmem>>[vector<16xi32>], vector<16xi32>, vector<16xi1>
      %reduce_sum3A_272 = arith.constant true
      %reduce_sum3A_273 = vector.broadcast %reduce_sum3A_272 : i1 to vector<16xi1>
      %reduce_sum3A_274 = tpu.scan <sum>, %get3A_96 masked %reduce_sum3A_273 : vector<16xi32>, vector<16xi1> -> vector<16xi32>
      %reduce_sum3A_275 = vector.extract %reduce_sum3A_274[15] : i32 from vector<16xi32>
      %add3A_276 = arith.addi %add3A_252, %reduce_sum3A_275 : i32
      %add3A_277 = arith.addi %add3A_253, %reduce_sum3A_275 : i32
      %get3A_278 = arith.constant 0 : index
      %get3A_279 = tpu.vector_load %arg8[%get3A_278] {strides = array<i32>} : memref<64xi32, #tpu.memory_space<vmem>>, vector<16xi32>,
      %swap3A_280 = arith.constant 0 : i32
      %swap3A_281 = arith.index_cast %swap3A_280 : i32 to index
      %swap3A_282 = arith.constant 0 : index
      %swap3A_283 = tpu.vector_load %arg7[%swap3A_281, %swap3A_282] {strides = array<i32>} : memref<8x64xi32, #tpu.memory_space<vmem>>, vector<16xi32>,
      tpu.vector_store %arg7[%swap3A_281, %swap3A_282], %get3A_279 {strides = array<i32>} : memref<8x64xi32, #tpu.memory_space<vmem>>, vector<16xi32>,
      %iota3A_284 = tpu.iota {dimensions = array<i32: 0>} : vector<16xi32>
      %broadcast_in_dim3A_285 = arith.constant 0 : i32
      %broadcast_in_dim3A_286 = vector.broadcast %broadcast_in_dim3A_285 : i32 to vector<16xi32>
      %add3A_287 = arith.addi %iota3A_284, %broadcast_in_dim3A_286 : vector<16xi32>
      %lt3A = vector.broadcast %add3A_277 : i32 to vector<16xi32>
      %lt3A_288 = arith.cmpi slt, %add3A_287, %lt3A : vector<16xi32>
      %select_n3A_289 = arith.select %lt3A_288, %broadcast_in_dim3A_0, %broadcast_in_dim3A_2 : vector<16xi1>, vector<16xi32>
      %swap3A_290 = arith.constant 1 : i32
      %swap3A_291 = arith.index_cast %swap3A_290 : i32 to index
      %swap3A_292 = arith.constant 0 : index
      %swap3A_293 = tpu.vector_load %arg7[%swap3A_291, %swap3A_292] {strides = array<i32>} : memref<8x64xi32, #tpu.memory_space<vmem>>, vector<16xi32>,
      tpu.vector_store %arg7[%swap3A_291, %swap3A_292], %select_n3A_289 {strides = array<i32>} : memref<8x64xi32, #tpu.memory_space<vmem>>, vector<16xi32>,
      %swap3A_294 = arith.constant 2 : i32
      %swap3A_295 = arith.index_cast %swap3A_294 : i32 to index
      %swap3A_296 = arith.constant 0 : index
      %swap3A_297 = tpu.vector_load %arg7[%swap3A_295, %swap3A_296] {strides = array<i32>} : memref<8x64xi32, #tpu.memory_space<vmem>>, vector<16xi32>,
      tpu.vector_store %arg7[%swap3A_295, %swap3A_296], %broadcast_in_dim3A_2 {strides = array<i32>} : memref<8x64xi32, #tpu.memory_space<vmem>>, vector<16xi32>,
      %swap3A_298 = arith.constant 3 : i32
      %swap3A_299 = arith.index_cast %swap3A_298 : i32 to index
      %swap3A_300 = arith.constant 0 : index
      %swap3A_301 = tpu.vector_load %arg7[%swap3A_299, %swap3A_300] {strides = array<i32>} : memref<8x64xi32, #tpu.memory_space<vmem>>, vector<16xi32>,
      tpu.vector_store %arg7[%swap3A_299, %swap3A_300], %broadcast_in_dim3A_2 {strides = array<i32>} : memref<8x64xi32, #tpu.memory_space<vmem>>, vector<16xi32>,
      %swap3A_302 = arith.constant 4 : i32
      %swap3A_303 = arith.index_cast %swap3A_302 : i32 to index
      %swap3A_304 = arith.constant 0 : index
      %swap3A_305 = tpu.vector_load %arg7[%swap3A_303, %swap3A_304] {strides = array<i32>} : memref<8x64xi32, #tpu.memory_space<vmem>>, vector<16xi32>,
      tpu.vector_store %arg7[%swap3A_303, %swap3A_304], %broadcast_in_dim3A_2 {strides = array<i32>} : memref<8x64xi32, #tpu.memory_space<vmem>>, vector<16xi32>,
      %swap3A_306 = arith.constant 5 : i32
      %swap3A_307 = arith.index_cast %swap3A_306 : i32 to index
      %swap3A_308 = arith.constant 0 : index
      %swap3A_309 = tpu.vector_load %arg7[%swap3A_307, %swap3A_308] {strides = array<i32>} : memref<8x64xi32, #tpu.memory_space<vmem>>, vector<16xi32>,
      tpu.vector_store %arg7[%swap3A_307, %swap3A_308], %broadcast_in_dim3A_2 {strides = array<i32>} : memref<8x64xi32, #tpu.memory_space<vmem>>, vector<16xi32>,
      %swap3A_310 = arith.constant 6 : i32
      %swap3A_311 = arith.index_cast %swap3A_310 : i32 to index
      %swap3A_312 = arith.constant 0 : index
      %swap3A_313 = tpu.vector_load %arg7[%swap3A_311, %swap3A_312] {strides = array<i32>} : memref<8x64xi32, #tpu.memory_space<vmem>>, vector<16xi32>,
      tpu.vector_store %arg7[%swap3A_311, %swap3A_312], %broadcast_in_dim3A_2 {strides = array<i32>} : memref<8x64xi32, #tpu.memory_space<vmem>>, vector<16xi32>,
      %swap3A_314 = arith.constant 7 : i32
      %swap3A_315 = arith.index_cast %swap3A_314 : i32 to index
      %swap3A_316 = arith.constant 0 : index
      %swap3A_317 = tpu.vector_load %arg7[%swap3A_315, %swap3A_316] {strides = array<i32>} : memref<8x64xi32, #tpu.memory_space<vmem>>, vector<16xi32>,
      tpu.vector_store %arg7[%swap3A_315, %swap3A_316], %broadcast_in_dim3A_2 {strides = array<i32>} : memref<8x64xi32, #tpu.memory_space<vmem>>, vector<16xi32>,
      %get3A_318 = arith.constant 16 : index
      %get3A_319 = tpu.vector_load %arg8[%get3A_318] {strides = array<i32>} : memref<64xi32, #tpu.memory_space<vmem>>, vector<16xi32>,
      %swap3A_320 = arith.constant 0 : i32
      %swap3A_321 = arith.index_cast %swap3A_320 : i32 to index
      %swap3A_322 = arith.constant 16 : index
      %swap3A_323 = tpu.vector_load %arg7[%swap3A_321, %swap3A_322] {strides = array<i32>} : memref<8x64xi32, #tpu.memory_space<vmem>>, vector<16xi32>,
      tpu.vector_store %arg7[%swap3A_321, %swap3A_322], %get3A_319 {strides = array<i32>} : memref<8x64xi32, #tpu.memory_space<vmem>>, vector<16xi32>,
      %iota3A_324 = tpu.iota {dimensions = array<i32: 0>} : vector<16xi32>
      %broadcast_in_dim3A_325 = arith.constant 16 : i32
      %broadcast_in_dim3A_326 = vector.broadcast %broadcast_in_dim3A_325 : i32 to vector<16xi32>
      %add3A_327 = arith.addi %iota3A_324, %broadcast_in_dim3A_326 : vector<16xi32>
      %lt3A_328 = vector.broadcast %add3A_277 : i32 to vector<16xi32>
      %lt3A_329 = arith.cmpi slt, %add3A_327, %lt3A_328 : vector<16xi32>
      %select_n3A_330 = arith.select %lt3A_329, %broadcast_in_dim3A_0, %broadcast_in_dim3A_2 : vector<16xi1>, vector<16xi32>
      %swap3A_331 = arith.constant 1 : i32
      %swap3A_332 = arith.index_cast %swap3A_331 : i32 to index
      %swap3A_333 = arith.constant 16 : index
      %swap3A_334 = tpu.vector_load %arg7[%swap3A_332, %swap3A_333] {strides = array<i32>} : memref<8x64xi32, #tpu.memory_space<vmem>>, vector<16xi32>,
      tpu.vector_store %arg7[%swap3A_332, %swap3A_333], %select_n3A_330 {strides = array<i32>} : memref<8x64xi32, #tpu.memory_space<vmem>>, vector<16xi32>,
      %swap3A_335 = arith.constant 2 : i32
      %swap3A_336 = arith.index_cast %swap3A_335 : i32 to index
      %swap3A_337 = arith.constant 16 : index
      %swap3A_338 = tpu.vector_load %arg7[%swap3A_336, %swap3A_337] {strides = array<i32>} : memref<8x64xi32, #tpu.memory_space<vmem>>, vector<16xi32>,
      tpu.vector_store %arg7[%swap3A_336, %swap3A_337], %broadcast_in_dim3A_2 {strides = array<i32>} : memref<8x64xi32, #tpu.memory_space<vmem>>, vector<16xi32>,
      %swap3A_339 = arith.constant 3 : i32
      %swap3A_340 = arith.index_cast %swap3A_339 : i32 to index
      %swap3A_341 = arith.constant 16 : index
      %swap3A_342 = tpu.vector_load %arg7[%swap3A_340, %swap3A_341] {strides = array<i32>} : memref<8x64xi32, #tpu.memory_space<vmem>>, vector<16xi32>,
      tpu.vector_store %arg7[%swap3A_340, %swap3A_341], %broadcast_in_dim3A_2 {strides = array<i32>} : memref<8x64xi32, #tpu.memory_space<vmem>>, vector<16xi32>,
      %swap3A_343 = arith.constant 4 : i32
      %swap3A_344 = arith.index_cast %swap3A_343 : i32 to index
      %swap3A_345 = arith.constant 16 : index
      %swap3A_346 = tpu.vector_load %arg7[%swap3A_344, %swap3A_345] {strides = array<i32>} : memref<8x64xi32, #tpu.memory_space<vmem>>, vector<16xi32>,
      tpu.vector_store %arg7[%swap3A_344, %swap3A_345], %broadcast_in_dim3A_2 {strides = array<i32>} : memref<8x64xi32, #tpu.memory_space<vmem>>, vector<16xi32>,
      %swap3A_347 = arith.constant 5 : i32
      %swap3A_348 = arith.index_cast %swap3A_347 : i32 to index
      %swap3A_349 = arith.constant 16 : index
      %swap3A_350 = tpu.vector_load %arg7[%swap3A_348, %swap3A_349] {strides = array<i32>} : memref<8x64xi32, #tpu.memory_space<vmem>>, vector<16xi32>,
      tpu.vector_store %arg7[%swap3A_348, %swap3A_349], %broadcast_in_dim3A_2 {strides = array<i32>} : memref<8x64xi32, #tpu.memory_space<vmem>>, vector<16xi32>,
      %swap3A_351 = arith.constant 6 : i32
      %swap3A_352 = arith.index_cast %swap3A_351 : i32 to index
      %swap3A_353 = arith.constant 16 : index
      %swap3A_354 = tpu.vector_load %arg7[%swap3A_352, %swap3A_353] {strides = array<i32>} : memref<8x64xi32, #tpu.memory_space<vmem>>, vector<16xi32>,
      tpu.vector_store %arg7[%swap3A_352, %swap3A_353], %broadcast_in_dim3A_2 {strides = array<i32>} : memref<8x64xi32, #tpu.memory_space<vmem>>, vector<16xi32>,
      %swap3A_355 = arith.constant 7 : i32
      %swap3A_356 = arith.index_cast %swap3A_355 : i32 to index
      %swap3A_357 = arith.constant 16 : index
      %swap3A_358 = tpu.vector_load %arg7[%swap3A_356, %swap3A_357] {strides = array<i32>} : memref<8x64xi32, #tpu.memory_space<vmem>>, vector<16xi32>,
      tpu.vector_store %arg7[%swap3A_356, %swap3A_357], %broadcast_in_dim3A_2 {strides = array<i32>} : memref<8x64xi32, #tpu.memory_space<vmem>>, vector<16xi32>,
      %get3A_359 = arith.constant 32 : index
      %get3A_360 = tpu.vector_load %arg8[%get3A_359] {strides = array<i32>} : memref<64xi32, #tpu.memory_space<vmem>>, vector<16xi32>,
      %swap3A_361 = arith.constant 0 : i32
      %swap3A_362 = arith.index_cast %swap3A_361 : i32 to index
      %swap3A_363 = arith.constant 32 : index
      %swap3A_364 = tpu.vector_load %arg7[%swap3A_362, %swap3A_363] {strides = array<i32>} : memref<8x64xi32, #tpu.memory_space<vmem>>, vector<16xi32>,
      tpu.vector_store %arg7[%swap3A_362, %swap3A_363], %get3A_360 {strides = array<i32>} : memref<8x64xi32, #tpu.memory_space<vmem>>, vector<16xi32>,
      %iota3A_365 = tpu.iota {dimensions = array<i32: 0>} : vector<16xi32>
      %broadcast_in_dim3A_366 = arith.constant 32 : i32
      %broadcast_in_dim3A_367 = vector.broadcast %broadcast_in_dim3A_366 : i32 to vector<16xi32>
      %add3A_368 = arith.addi %iota3A_365, %broadcast_in_dim3A_367 : vector<16xi32>
      %lt3A_369 = vector.broadcast %add3A_277 : i32 to vector<16xi32>
      %lt3A_370 = arith.cmpi slt, %add3A_368, %lt3A_369 : vector<16xi32>
      %select_n3A_371 = arith.select %lt3A_370, %broadcast_in_dim3A_0, %broadcast_in_dim3A_2 : vector<16xi1>, vector<16xi32>
      %swap3A_372 = arith.constant 1 : i32
      %swap3A_373 = arith.index_cast %swap3A_372 : i32 to index
      %swap3A_374 = arith.constant 32 : index
      %swap3A_375 = tpu.vector_load %arg7[%swap3A_373, %swap3A_374] {strides = array<i32>} : memref<8x64xi32, #tpu.memory_space<vmem>>, vector<16xi32>,
      tpu.vector_store %arg7[%swap3A_373, %swap3A_374], %select_n3A_371 {strides = array<i32>} : memref<8x64xi32, #tpu.memory_space<vmem>>, vector<16xi32>,
      %swap3A_376 = arith.constant 2 : i32
      %swap3A_377 = arith.index_cast %swap3A_376 : i32 to index
      %swap3A_378 = arith.constant 32 : index
      %swap3A_379 = tpu.vector_load %arg7[%swap3A_377, %swap3A_378] {strides = array<i32>} : memref<8x64xi32, #tpu.memory_space<vmem>>, vector<16xi32>,
      tpu.vector_store %arg7[%swap3A_377, %swap3A_378], %broadcast_in_dim3A_2 {strides = array<i32>} : memref<8x64xi32, #tpu.memory_space<vmem>>, vector<16xi32>,
      %swap3A_380 = arith.constant 3 : i32
      %swap3A_381 = arith.index_cast %swap3A_380 : i32 to index
      %swap3A_382 = arith.constant 32 : index
      %swap3A_383 = tpu.vector_load %arg7[%swap3A_381, %swap3A_382] {strides = array<i32>} : memref<8x64xi32, #tpu.memory_space<vmem>>, vector<16xi32>,
      tpu.vector_store %arg7[%swap3A_381, %swap3A_382], %broadcast_in_dim3A_2 {strides = array<i32>} : memref<8x64xi32, #tpu.memory_space<vmem>>, vector<16xi32>,
      %swap3A_384 = arith.constant 4 : i32
      %swap3A_385 = arith.index_cast %swap3A_384 : i32 to index
      %swap3A_386 = arith.constant 32 : index
      %swap3A_387 = tpu.vector_load %arg7[%swap3A_385, %swap3A_386] {strides = array<i32>} : memref<8x64xi32, #tpu.memory_space<vmem>>, vector<16xi32>,
      tpu.vector_store %arg7[%swap3A_385, %swap3A_386], %broadcast_in_dim3A_2 {strides = array<i32>} : memref<8x64xi32, #tpu.memory_space<vmem>>, vector<16xi32>,
      %swap3A_388 = arith.constant 5 : i32
      %swap3A_389 = arith.index_cast %swap3A_388 : i32 to index
      %swap3A_390 = arith.constant 32 : index
      %swap3A_391 = tpu.vector_load %arg7[%swap3A_389, %swap3A_390] {strides = array<i32>} : memref<8x64xi32, #tpu.memory_space<vmem>>, vector<16xi32>,
      tpu.vector_store %arg7[%swap3A_389, %swap3A_390], %broadcast_in_dim3A_2 {strides = array<i32>} : memref<8x64xi32, #tpu.memory_space<vmem>>, vector<16xi32>,
      %swap3A_392 = arith.constant 6 : i32
      %swap3A_393 = arith.index_cast %swap3A_392 : i32 to index
      %swap3A_394 = arith.constant 32 : index
      %swap3A_395 = tpu.vector_load %arg7[%swap3A_393, %swap3A_394] {strides = array<i32>} : memref<8x64xi32, #tpu.memory_space<vmem>>, vector<16xi32>,
      tpu.vector_store %arg7[%swap3A_393, %swap3A_394], %broadcast_in_dim3A_2 {strides = array<i32>} : memref<8x64xi32, #tpu.memory_space<vmem>>, vector<16xi32>,
      %swap3A_396 = arith.constant 7 : i32
      %swap3A_397 = arith.index_cast %swap3A_396 : i32 to index
      %swap3A_398 = arith.constant 32 : index
      %swap3A_399 = tpu.vector_load %arg7[%swap3A_397, %swap3A_398] {strides = array<i32>} : memref<8x64xi32, #tpu.memory_space<vmem>>, vector<16xi32>,
      tpu.vector_store %arg7[%swap3A_397, %swap3A_398], %broadcast_in_dim3A_2 {strides = array<i32>} : memref<8x64xi32, #tpu.memory_space<vmem>>, vector<16xi32>,
      %get3A_400 = arith.constant 48 : index
      %get3A_401 = tpu.vector_load %arg8[%get3A_400] {strides = array<i32>} : memref<64xi32, #tpu.memory_space<vmem>>, vector<16xi32>,
      %swap3A_402 = arith.constant 0 : i32
      %swap3A_403 = arith.index_cast %swap3A_402 : i32 to index
      %swap3A_404 = arith.constant 48 : index
      %swap3A_405 = tpu.vector_load %arg7[%swap3A_403, %swap3A_404] {strides = array<i32>} : memref<8x64xi32, #tpu.memory_space<vmem>>, vector<16xi32>,
      tpu.vector_store %arg7[%swap3A_403, %swap3A_404], %get3A_401 {strides = array<i32>} : memref<8x64xi32, #tpu.memory_space<vmem>>, vector<16xi32>,
      %iota3A_406 = tpu.iota {dimensions = array<i32: 0>} : vector<16xi32>
      %broadcast_in_dim3A_407 = arith.constant 48 : i32
      %broadcast_in_dim3A_408 = vector.broadcast %broadcast_in_dim3A_407 : i32 to vector<16xi32>
      %add3A_409 = arith.addi %iota3A_406, %broadcast_in_dim3A_408 : vector<16xi32>
      %lt3A_410 = vector.broadcast %add3A_277 : i32 to vector<16xi32>
      %lt3A_411 = arith.cmpi slt, %add3A_409, %lt3A_410 : vector<16xi32>
      %select_n3A_412 = arith.select %lt3A_411, %broadcast_in_dim3A_0, %broadcast_in_dim3A_2 : vector<16xi1>, vector<16xi32>
      %swap3A_413 = arith.constant 1 : i32
      %swap3A_414 = arith.index_cast %swap3A_413 : i32 to index
      %swap3A_415 = arith.constant 48 : index
      %swap3A_416 = tpu.vector_load %arg7[%swap3A_414, %swap3A_415] {strides = array<i32>} : memref<8x64xi32, #tpu.memory_space<vmem>>, vector<16xi32>,
      tpu.vector_store %arg7[%swap3A_414, %swap3A_415], %select_n3A_412 {strides = array<i32>} : memref<8x64xi32, #tpu.memory_space<vmem>>, vector<16xi32>,
      %swap3A_417 = arith.constant 2 : i32
      %swap3A_418 = arith.index_cast %swap3A_417 : i32 to index
      %swap3A_419 = arith.constant 48 : index
      %swap3A_420 = tpu.vector_load %arg7[%swap3A_418, %swap3A_419] {strides = array<i32>} : memref<8x64xi32, #tpu.memory_space<vmem>>, vector<16xi32>,
      tpu.vector_store %arg7[%swap3A_418, %swap3A_419], %broadcast_in_dim3A_2 {strides = array<i32>} : memref<8x64xi32, #tpu.memory_space<vmem>>, vector<16xi32>,
      %swap3A_421 = arith.constant 3 : i32
      %swap3A_422 = arith.index_cast %swap3A_421 : i32 to index
      %swap3A_423 = arith.constant 48 : index
      %swap3A_424 = tpu.vector_load %arg7[%swap3A_422, %swap3A_423] {strides = array<i32>} : memref<8x64xi32, #tpu.memory_space<vmem>>, vector<16xi32>,
      tpu.vector_store %arg7[%swap3A_422, %swap3A_423], %broadcast_in_dim3A_2 {strides = array<i32>} : memref<8x64xi32, #tpu.memory_space<vmem>>, vector<16xi32>,
      %swap3A_425 = arith.constant 4 : i32
      %swap3A_426 = arith.index_cast %swap3A_425 : i32 to index
      %swap3A_427 = arith.constant 48 : index
      %swap3A_428 = tpu.vector_load %arg7[%swap3A_426, %swap3A_427] {strides = array<i32>} : memref<8x64xi32, #tpu.memory_space<vmem>>, vector<16xi32>,
      tpu.vector_store %arg7[%swap3A_426, %swap3A_427], %broadcast_in_dim3A_2 {strides = array<i32>} : memref<8x64xi32, #tpu.memory_space<vmem>>, vector<16xi32>,
      %swap3A_429 = arith.constant 5 : i32
      %swap3A_430 = arith.index_cast %swap3A_429 : i32 to index
      %swap3A_431 = arith.constant 48 : index
      %swap3A_432 = tpu.vector_load %arg7[%swap3A_430, %swap3A_431] {strides = array<i32>} : memref<8x64xi32, #tpu.memory_space<vmem>>, vector<16xi32>,
      tpu.vector_store %arg7[%swap3A_430, %swap3A_431], %broadcast_in_dim3A_2 {strides = array<i32>} : memref<8x64xi32, #tpu.memory_space<vmem>>, vector<16xi32>,
      %swap3A_433 = arith.constant 6 : i32
      %swap3A_434 = arith.index_cast %swap3A_433 : i32 to index
      %swap3A_435 = arith.constant 48 : index
      %swap3A_436 = tpu.vector_load %arg7[%swap3A_434, %swap3A_435] {strides = array<i32>} : memref<8x64xi32, #tpu.memory_space<vmem>>, vector<16xi32>,
      tpu.vector_store %arg7[%swap3A_434, %swap3A_435], %broadcast_in_dim3A_2 {strides = array<i32>} : memref<8x64xi32, #tpu.memory_space<vmem>>, vector<16xi32>,
      %swap3A_437 = arith.constant 7 : i32
      %swap3A_438 = arith.index_cast %swap3A_437 : i32 to index
      %swap3A_439 = arith.constant 48 : index
      %swap3A_440 = tpu.vector_load %arg7[%swap3A_438, %swap3A_439] {strides = array<i32>} : memref<8x64xi32, #tpu.memory_space<vmem>>, vector<16xi32>,
      tpu.vector_store %arg7[%swap3A_438, %swap3A_439], %broadcast_in_dim3A_2 {strides = array<i32>} : memref<8x64xi32, #tpu.memory_space<vmem>>, vector<16xi32>,
      "tpu.region"() ({
        %run_scoped3A = tpu.sem_alloc : memref<!tpu.dma_semaphore, #tpu.memory_space<semaphore_mem>>
        tpu.enqueue_dma source(%arg7 : memref<8x64xi32, #tpu.memory_space<vmem>>) target(%arg4 : memref<8x64xi32, #tpu.memory_space<hbm>>) target_semaphore(%run_scoped3A : memref<!tpu.dma_semaphore, #tpu.memory_space<semaphore_mem>>)
        tpu.wait_dma2 semaphore(%run_scoped3A : memref<!tpu.dma_semaphore, #tpu.memory_space<semaphore_mem>>) src(%arg7 : memref<8x64xi32, #tpu.memory_space<vmem>>) dst(%arg4 : memref<8x64xi32, #tpu.memory_space<hbm>>)
        tpu.yield
      }) : () -> ()
    } else {
    }
    return
  }
}

module attributes {stable_mosaic.version = 14 : i64} {
  func.func @_moe_step(%arg0: i32, %arg1: memref<8x64xi32, #tpu.memory_space<smem>>, %arg2: memref<64x1024xf32, #tpu.memory_space<vmem>>, %arg3: memref<64x64xf32, #tpu.memory_space<vmem>>, %arg4: memref<1x1x1024x1024xf32, #tpu.memory_space<vmem>>, %arg5: memref<1x1x1024x1024xf32, #tpu.memory_space<vmem>>, %arg6: memref<1x1024x1024xf32, #tpu.memory_space<vmem>>, %arg7: memref<64x1024xf32, #tpu.memory_space<vmem>>) attributes {dimension_semantics = [#tpu.dimension_semantics<arbitrary>], iteration_bounds = array<i64: 64>, scalar_prefetch = 1 : i64, scratch_operands = 0 : i64, tpu.core_type = #tpu.core_type<tc>, window_params = [{pipeline_mode = #tpu.pipeline_mode<synchronous>, transform_indices = @transform_0, window_bounds = array<i64: 64, 1024>}, {pipeline_mode = #tpu.pipeline_mode<synchronous>, transform_indices = @transform_1, window_bounds = array<i64: 64, 64>}, {transform_indices = @transform_2, window_bounds = array<i64: 1, 1, 1024, 1024>}, {transform_indices = @transform_3, window_bounds = array<i64: 1, 1, 1024, 1024>}, {transform_indices = @transform_4, window_bounds = array<i64: 1, 1024, 1024>}, {pipeline_mode = #tpu.pipeline_mode<synchronous>, transform_indices = @transform_5, window_bounds = array<i64: 64, 1024>}]} {
    %eq3A = arith.constant 0 : i32
    %eq3A_0 = arith.cmpi eq, %arg0, %eq3A : i32
    %convert_element_type3A = arith.extui %eq3A_0 : i1 to i32
    %cond3A = arith.constant 0 : i32
    %cond3A_1 = arith.cmpi ne, %convert_element_type3A, %cond3A : i32
    scf.if %cond3A_1 {
      %broadcast_in_dim3A = arith.constant 0.000000e+00 : f32
      %broadcast_in_dim3A_9 = vector.broadcast %broadcast_in_dim3A : f32 to vector<64x1024xf32>
      %swap3A = arith.constant 0 : index
      %swap3A_10 = arith.constant 0 : index
      %swap3A_11 = vector.load %arg7[%swap3A, %swap3A_10] : memref<64x1024xf32, #tpu.memory_space<vmem>>, vector<64x1024xf32>
      tpu.vector_store %arg7[%swap3A, %swap3A_10], %broadcast_in_dim3A_9 {strides = array<i32>} : memref<64x1024xf32, #tpu.memory_space<vmem>>, vector<64x1024xf32>,
    } else {
    }
    %get3A = arith.constant 1 : index
    %get3A_2 = arith.index_cast %arg0 : i32 to index
    %get3A_3 = memref.load %arg1[%get3A, %get3A_2] : memref<8x64xi32, #tpu.memory_space<smem>>
    %eq3A_4 = arith.constant 1 : i32
    %eq3A_5 = arith.cmpi eq, %get3A_3, %eq3A_4 : i32
    %convert_element_type3A_6 = arith.extui %eq3A_5 : i1 to i32
    %cond3A_7 = arith.constant 0 : i32
    %cond3A_8 = arith.cmpi ne, %convert_element_type3A_6, %cond3A_7 : i32
    scf.if %cond3A_8 {
      %get3A_9 = arith.constant 0 : index
      %get3A_10 = arith.constant 0 : index
      %get3A_11 = vector.load %arg2[%get3A_9, %get3A_10] : memref<64x1024xf32, #tpu.memory_space<vmem>>, vector<64x1024xf32>
      %get3A_12 = arith.constant 0 : index
      %get3A_13 = arith.constant 0 : index
      %get3A_14 = arith.constant 0 : index
      %get3A_15 = arith.constant 0 : index
      %get3A_16 = vector.load %arg4[%get3A_12, %get3A_13, %get3A_14, %get3A_15] : memref<1x1x1024x1024xf32, #tpu.memory_space<vmem>>, vector<1x1x1024x1024xf32>
      %get3A_17 = vector.shape_cast %get3A_16 : vector<1x1x1024x1024xf32> to vector<1024x1024xf32>
      %dot_general3A = arith.constant dense<0.000000e+00> : vector<64x1024xf32>
      %dot_general3A_18 = tpu.matmul %get3A_11, %get3A_17, %dot_general3A {dimension_numbers = #tpu.dot_dimension_numbers<[1], [1], [0], [0], [0, 0, 1, 0], [], []>, transpose_lhs_hint = false} : vector<64x1024xf32>, vector<1024x1024xf32>, vector<64x1024xf32> -> vector<64x1024xf32>
      %get3A_19 = arith.constant 0 : index
      %get3A_20 = arith.constant 0 : index
      %get3A_21 = arith.constant 0 : index
      %get3A_22 = arith.constant 0 : index
      %get3A_23 = vector.load %arg5[%get3A_19, %get3A_20, %get3A_21, %get3A_22] : memref<1x1x1024x1024xf32, #tpu.memory_space<vmem>>, vector<1x1x1024x1024xf32>
      %get3A_24 = vector.shape_cast %get3A_23 : vector<1x1x1024x1024xf32> to vector<1024x1024xf32>
      %dot_general3A_25 = arith.constant dense<0.000000e+00> : vector<64x1024xf32>
      %dot_general3A_26 = tpu.matmul %get3A_11, %get3A_24, %dot_general3A_25 {dimension_numbers = #tpu.dot_dimension_numbers<[1], [1], [0], [0], [0, 0, 1, 0], [], []>, transpose_lhs_hint = false} : vector<64x1024xf32>, vector<1024x1024xf32>, vector<64x1024xf32> -> vector<64x1024xf32>
      %logistic3A = arith.negf %dot_general3A_18 : vector<64x1024xf32>
      %logistic3A_27 = math.exp %logistic3A : vector<64x1024xf32>
      %logistic3A_28 = arith.constant 1.000000e+00 : f32
      %logistic3A_29 = vector.broadcast %logistic3A_28 : f32 to vector<64x1024xf32>
      %logistic3A_30 = arith.addf %logistic3A_29, %logistic3A_27 : vector<64x1024xf32>
      %logistic3A_31 = arith.divf %logistic3A_29, %logistic3A_30 : vector<64x1024xf32>
      %mul3A = arith.mulf %dot_general3A_18, %logistic3A_31 : vector<64x1024xf32>
      %mul3A_32 = arith.mulf %mul3A, %dot_general3A_26 : vector<64x1024xf32>
      %get3A_33 = arith.constant 0 : index
      %get3A_34 = arith.constant 0 : index
      %get3A_35 = arith.constant 0 : index
      %get3A_36 = vector.load %arg6[%get3A_33, %get3A_34, %get3A_35] : memref<1x1024x1024xf32, #tpu.memory_space<vmem>>, vector<1x1024x1024xf32>
      %get3A_37 = vector.shape_cast %get3A_36 : vector<1x1024x1024xf32> to vector<1024x1024xf32>
      %dot_general3A_38 = arith.constant dense<0.000000e+00> : vector<64x1024xf32>
      %dot_general3A_39 = tpu.matmul %mul3A_32, %get3A_37, %dot_general3A_38 {dimension_numbers = #tpu.dot_dimension_numbers<[1], [1], [0], [0], [0, 0, 1, 0], [], []>, transpose_lhs_hint = false} : vector<64x1024xf32>, vector<1024x1024xf32>, vector<64x1024xf32> -> vector<64x1024xf32>
      %get3A_40 = arith.constant 0 : index
      %get3A_41 = arith.index_cast %arg0 : i32 to index
      %get3A_42 = memref.load %arg1[%get3A_40, %get3A_41] : memref<8x64xi32, #tpu.memory_space<smem>>
      %iota3A = tpu.iota {dimensions = array<i32: 1>} : vector<64x64xi32>
      %eq3A_43 = vector.broadcast %get3A_42 : i32 to vector<64x64xi32>
      %eq3A_44 = arith.cmpi eq, %iota3A, %eq3A_43 : vector<64x64xi32>
      %get3A_45 = arith.constant 0 : index
      %get3A_46 = arith.constant 0 : index
      %get3A_47 = vector.load %arg3[%get3A_45, %get3A_46] : memref<64x64xf32, #tpu.memory_space<vmem>>, vector<64x64xf32>
      %jit3A = arith.constant 0.000000e+00 : f32
      %broadcast_in_dim3A = vector.broadcast %jit3A : f32 to vector<64x64xf32>
      %select_n3A = arith.select %eq3A_44, %get3A_47, %broadcast_in_dim3A : vector<64x64xi1>, vector<64x64xf32>
      %reduce_sum3A = arith.constant dense<0.000000e+00> : vector<64xf32>
      %reduce_sum3A_48 = vector.multi_reduction <add>, %select_n3A, %reduce_sum3A [1] : vector<64x64xf32> to vector<64xf32>
      %broadcast_in_dim3A_49 = vector.shape_cast %reduce_sum3A_48 : vector<64xf32> to vector<64x1xf32>
      %get3A_50 = arith.constant 0 : index
      %get3A_51 = arith.constant 0 : index
      %get3A_52 = vector.load %arg7[%get3A_50, %get3A_51] : memref<64x1024xf32, #tpu.memory_space<vmem>>, vector<64x1024xf32>
      %mul3A_53 = vector.broadcast %broadcast_in_dim3A_49 : vector<64x1xf32> to vector<64x1024xf32>
      %mul3A_54 = arith.mulf %mul3A_53, %dot_general3A_39 : vector<64x1024xf32>
      %add3A = arith.addf %get3A_52, %mul3A_54 : vector<64x1024xf32>
      %swap3A = arith.constant 0 : index
      %swap3A_55 = arith.constant 0 : index
      %swap3A_56 = vector.load %arg7[%swap3A, %swap3A_55] : memref<64x1024xf32, #tpu.memory_space<vmem>>, vector<64x1024xf32>
      tpu.vector_store %arg7[%swap3A, %swap3A_55], %add3A {strides = array<i32>} : memref<64x1024xf32, #tpu.memory_space<vmem>>, vector<64x1024xf32>,
    } else {
    }
    return
  }
  func.func @transform_0(%arg0: i32, %arg1: memref<8x64xi32, #tpu.memory_space<smem>>) -> (i32, i32) {
    %c0_i32 = arith.constant 0 : i32
    %c0_i32_0 = arith.constant 0 : i32
    %c0_i32_1 = arith.constant 0 : i32
    return %c0_i32, %c0_i32_0 : i32, i32
  }
  func.func @transform_1(%arg0: i32, %arg1: memref<8x64xi32, #tpu.memory_space<smem>>) -> (i32, i32) {
    %c0_i32 = arith.constant 0 : i32
    %c0_i32_0 = arith.constant 0 : i32
    %c0_i32_1 = arith.constant 0 : i32
    return %c0_i32, %c0_i32_0 : i32, i32
  }
  func.func @transform_2(%arg0: i32, %arg1: memref<8x64xi32, #tpu.memory_space<smem>>) -> (i32, i32, i32, i32) {
    %get3A = arith.constant 0 : index
    %get3A_0 = arith.index_cast %arg0 : i32 to index
    %get3A_1 = memref.load %arg1[%get3A, %get3A_0] : memref<8x64xi32, #tpu.memory_space<smem>>
    %c0_i32 = arith.constant 0 : i32
    %c0_i32_2 = arith.constant 0 : i32
    %c0_i32_3 = arith.constant 0 : i32
    %c0_i32_4 = arith.constant 0 : i32
    return %get3A_1, %c0_i32, %c0_i32_2, %c0_i32_3 : i32, i32, i32, i32
  }
  func.func @transform_3(%arg0: i32, %arg1: memref<8x64xi32, #tpu.memory_space<smem>>) -> (i32, i32, i32, i32) {
    %get3A = arith.constant 0 : index
    %get3A_0 = arith.index_cast %arg0 : i32 to index
    %get3A_1 = memref.load %arg1[%get3A, %get3A_0] : memref<8x64xi32, #tpu.memory_space<smem>>
    %c1_i32 = arith.constant 1 : i32
    %c0_i32 = arith.constant 0 : i32
    %c0_i32_2 = arith.constant 0 : i32
    %c0_i32_3 = arith.constant 0 : i32
    return %get3A_1, %c1_i32, %c0_i32, %c0_i32_2 : i32, i32, i32, i32
  }
  func.func @transform_4(%arg0: i32, %arg1: memref<8x64xi32, #tpu.memory_space<smem>>) -> (i32, i32, i32) {
    %get3A = arith.constant 0 : index
    %get3A_0 = arith.index_cast %arg0 : i32 to index
    %get3A_1 = memref.load %arg1[%get3A, %get3A_0] : memref<8x64xi32, #tpu.memory_space<smem>>
    %c0_i32 = arith.constant 0 : i32
    %c0_i32_2 = arith.constant 0 : i32
    %c0_i32_3 = arith.constant 0 : i32
    return %get3A_1, %c0_i32, %c0_i32_2 : i32, i32, i32
  }
  func.func @transform_5(%arg0: i32, %arg1: memref<8x64xi32, #tpu.memory_space<smem>>) -> (i32, i32) {
    %c0_i32 = arith.constant 0 : i32
    %c0_i32_0 = arith.constant 0 : i32
    %c0_i32_1 = arith.constant 0 : i32
    return %c0_i32, %c0_i32_0 : i32, i32
  }
}

</mosaic_0001>

<sc_bundles>
// kernel: kernel.4.cloned.1.call-start
scs
__scs_entry_jumppad:
0x0: {  	(pc) =	sbr.rel $0x88, $3  }
0x1: {  	(tag) =	ssettag $0x0;
	lr =	simm.s32 $0x1  }
0x2: {  	[smem:$0x3F9D] =	sst lr;
	_ =	strace $0xD0000000  }
0x3: {  	_ = 	snop  }
0x4: {  	_ = 	snop  }
0x5: {  	_ = 	snop  }
0x6: {  	_ = 	snop  }
0x7: {  	_ = 	snop  }
__scs_overlays_trampoline_lowered:
0x8: {  	[smem:$0x3FAC] =	sst s0  }
0x9: {  	[smem:$0x3FAD] =	sst s1  }
0xa: {  	[smem:$0x3FAE] =	sst s2  }
0xb: {  	[smem:$0x3FAF] =	sst s3  }
0xc: {  	[smem:$0x3FB0] =	sst s4  }
0xd: {  	[smem:$0x3FB1] =	sst s5  }
0xe: {  	[smem:$0x3FB2] =	sst s6  }
0xf: {  	[smem:$0x3FB3] =	sst s7  }
0x10: {  	[smem:$0x3FB4] =	sst s8  }
0x11: {  	[smem:$0x3FB5] =	sst s9;
	s0 =	simm.s32 @!p0 $0x0  }
0x12: {  	s1 =	sld [smem:$0x3F9B];
	s0 =	simm.s32 @p0 $0x1  }
0x13: {  	[smem:$0x3FB6] =	sst s0;
	s0 =	simm.s32 @!p1 $0x0  }
0x14: {  	s2 =	sld [smem:$0x3F9A];
	s0 =	simm.s32 @p1 $0x1  }
0x15: {  	[smem:$0x3FB7] =	sst s0;
	s0 =	simm.s32 @!p2 $0x0  }
0x16: {  	s3 =	sld [smem:$0x3FDB];
	s0 =	simm.s32 @p2 $0x1  }
0x17: {  	s4 =	simm.s32 $0x1BF5;
	[smem:$0x3FB9] =	sst s0  }
0x18: {  	s0 =	sld [smem:$0x3F9C];
	_ =	swait.ge [sflag:s4], $0x0  }
0x19: {  	s7 =	sld [smem:$0x3F9D]  }
0x1a: {  	s8 =	sadd.s32 $0xFFFFE003, lr  }
0x1b: {  	s9 =	sadd.s32 $0xFFFFFEF7, lr;
	s5 =	simm.s32 $0xFFFFFFFF;
	p2 =	slt.u32 s8, $0xFFFFF086  }
0x1c: {  	p1 =	slt.u32 s9, $0xF7A;
	s5 =	simm.s32 @!p2 $0x0  }
0x1d: {  	s5 =	simm.s32 @p1 $0x1;
	p0 =	seq.s32 s7, s2  }
0x1e: {  	s7 =	smul.u32 @!p0 $0xF7A, s2;
	p2 =	seq.s32 @!p0 s5, $0x0  }
0x1f: {  	s9 =	smul.u32 $0xF7A, s1;
	s8 =	simm.s32 @!p0 $0x1BF5;
	p2 =	por !p2, p0  }
0x20: {  	[sflag:s8] =	ssyncset.s32 @!p0 $0xFFFFF086;
	s6 =	sadd.s32 @!p0 s3, s7;
	s7 =	simm.s32 @!p0 $0x108  }
0x21: {  	s3 =	sadd.s32 s3, s9;
	s6 =	sadd.s32 @!p0 $0x88, s6;
	s7 =	simm.s32 @p2 $0x1082  }
0x22: {  	[simem:s7], [sflag:s8] =	dma.local @!p0 [hbm:s6], $0xF7A  }
0x23: {  	s9 =	sor.u32 $0xD0000000, s2;
	s6 =	simm.s32 $0x108;
	_ =	swait.ge @!p0 [sflag:s8], $0x0  }
0x24: {  	s3 =	sadd.s32 $0x88, s3;
	s6 =	simm.s32 @!p1 $0x1082;
	[sflag:s4] =	ssyncset.s32 $0xFFFFF086  }
0x25: {  	[simem:s6], [sflag:s4] =	dma.local [hbm:s3], $0xF7A  }
0x26: {  	[smem:$0x3F9D] =	sst s1;
	(tag) =	ssettag s2;
	_ =	strace s9  }
0x27: {  	s1 =	sld [smem:$0x3FAD]  }
0x28: {  	s2 =	sld [smem:$0x3FAE]  }
0x29: {  	s4 =	sld [smem:$0x3FB0]  }
0x2a: {  	p0 =	seq.s32 s5, $0x0;
	s5 =	sld [smem:$0x3FB1]  }
0x2b: {  	s6 =	sld [smem:$0x3FB2]  }
0x2c: {  	s7 =	sld [smem:$0x3FB3]  }
0x2d: {  	s3 =	simm.s32 $0x108;
	s8 =	sld [smem:$0x3FB4]  }
0x2e: {  	s3 =	simm.s32 @!p0 $0x1082;
	s9 =	sld [smem:$0x3FB5]  }
0x2f: {  	lr =	sadd.s32 s0, s3;
	s0 =	sld [smem:$0x3FAC]  }
0x30: {  	s3 =	sld [smem:$0x3FAF]  }
0x31: {  	[smem:$0x3FB8] =	sst s10  }
0x32: {  	s10 =	sld [smem:$0x3FB6];
	_ =	sdelay $0x3  }
0x33: {  	p0 =	seq.s32 s10, $0x1;
	s10 =	sld [smem:$0x3FB8];
	_ =	sdelay $0x3  }
0x34: {  	[smem:$0x3FB8] =	sst s10  }
0x35: {  	s10 =	sld [smem:$0x3FB7];
	_ =	sdelay $0x3  }
0x36: {  	p1 =	seq.s32 s10, $0x1;
	s10 =	sld [smem:$0x3FB8];
	_ =	sdelay $0x3  }
0x37: {  	[smem:$0x3FB8] =	sst s10  }
0x38: {  	s10 =	sld [smem:$0x3FB9]  }
0x39: {  	_ = 	snop;
	(pc) =	sbr.ind lr, $3  }
0x3a: {  	_ = 	snop  }
0x3b: {  	_ = 	snop  }
0x3c: {  	p2 =	seq.s32 s10, $0x1;
	s10 =	sld [smem:$0x3FB8]  }
0x3d: {  	_ =	shalt  }
0x3e: {  	_ =	shalt  }
0x3f: {  	_ =	shalt  }
0x40: {  	_ =	shalt  }
0x41: {  	_ =	shalt  }
0x42: {  	_ =	shalt  }
0x43: {  	_ =	shalt  }
0x44: {  	_ =	shalt  }
0x45: {  	_ =	shalt  }
0x46: {  	_ =	shalt  }
0x47: {  	_ =	shalt  }
0x48: {  	_ =	shalt  }
0x49: {  	_ =	shalt  }
0x4a: {  	_ =	shalt  }
0x4b: {  	_ =	shalt  }
0x4c: {  	_ =	shalt  }
0x4d: {  	_ =	shalt  }
0x4e: {  	_ =	shalt  }
0x4f: {  	_ =	shalt  }
0x50: {  	_ =	shalt  }
0x51: {  	_ =	shalt  }
0x52: {  	_ =	shalt  }
0x53: {  	_ =	shalt  }
0x54: {  	_ =	shalt  }
0x55: {  	_ =	shalt  }
0x56: {  	_ =	shalt  }
0x57: {  	_ =	shalt  }
0x58: {  	_ =	shalt  }
0x59: {  	_ =	shalt  }
0x5a: {  	_ =	shalt  }
0x5b: {  	_ =	shalt  }
0x5c: {  	_ =	shalt  }
0x5d: {  	_ =	shalt  }
0x5e: {  	_ =	shalt  }
0x5f: {  	_ =	shalt  }
0x60: {  	_ =	shalt  }
0x61: {  	_ =	shalt  }
0x62: {  	_ =	shalt  }
0x63: {  	_ =	shalt  }
0x64: {  	_ =	shalt  }
0x65: {  	_ =	shalt  }
0x66: {  	_ =	shalt  }
0x67: {  	_ =	shalt  }
0x68: {  	_ =	shalt  }
0x69: {  	_ =	shalt  }
0x6a: {  	_ =	shalt  }
0x6b: {  	_ =	shalt  }
0x6c: {  	_ =	shalt  }
0x6d: {  	_ =	shalt  }
0x6e: {  	_ =	shalt  }
0x6f: {  	_ =	shalt  }
0x70: {  	_ =	shalt  }
0x71: {  	_ =	shalt  }
0x72: {  	_ =	shalt  }
0x73: {  	_ =	shalt  }
0x74: {  	_ =	shalt  }
0x75: {  	_ =	shalt  }
0x76: {  	_ =	shalt  }
0x77: {  	_ =	shalt  }
0x78: {  	_ =	shalt  }
0x79: {  	_ =	shalt  }
0x7a: {  	_ =	shalt  }
0x7b: {  	_ =	shalt  }
0x7c: {  	_ =	shalt  }
0x7d: {  	_ =	shalt  }
0x7e: {  	_ =	shalt  }
0x7f: {  	_ =	shalt  }
0x80: {  	_ =	shalt  }
0x81: {  	_ =	shalt  }
0x82: {  	_ =	shalt  }
0x83: {  	_ =	shalt  }
0x84: {  	_ =	shalt  }
0x85: {  	_ =	shalt  }
0x86: {  	_ =	shalt  }
0x87: {  	_ =	shalt  }
.Lfunc_end0:
.L_simem_size_0:
called_computation_lowered:
.L_overlay_start_0:
0x88: {  	s2 =	sld [smem:$0x3FD9]  }
0x89: {  	s3 =	sld [smem:$0x3FFE];
	_ =	sdelay $0x1  }
0x8a: {  	s1 =	srdreg.scid  }
0x8b: {  	s0 =	sand.u32 $0x1, s1  }
0x8c: {  	s17 =	sshll.u32 s0, $0xA;
	s2 =	sadd.s32 s3, s2  }
0x8d: {  	s2 =	sadd.s32 s2, s17  }
0x8e: {  	[smem:$0x3FC4] =	sst s2  }
0x8f: {  	_ = 	snop  }
0x90: {  	s2 =	sld [smem:$0x3FC8]  }
0x91: {  	s18 =	sld [smem:$0x3FD0];
	(tm) =	ssettm $0x1  }
0x92: {  	s4 =	sld [smem:$0x3FFB];
	_ =	sdelay $0x3  }
0x93: {  	_ =	strace s4  }
0x94: {  	s4 =	sld [smem:$0x3FFC];
	_ =	sdelay $0x3  }
0x95: {  	_ =	strace s4  }
0x96: {  	s4 =	sld [smem:$0x3FFD];
	_ =	sdelay $0x3  }
0x97: {  	_ =	strace s4  }
0x98: {  	_ =	strace $0x8FFFFFFF  }
0x99: {  	s19 =	sld [smem:$0x3FDB];
	_ =	sdelay $0x1  }
0x9a: {  	s5 =	simm.s32 $_scs_section_size  }
0x9b: {  	s6 =	simm.s32 $_size__tile_overlayer_lowered;
	s7 =	simm.s32 $_tile_overlayer_lowered  }
0x9c: {  	s22 =	simm.s32 $0x1BFF;
	s21 =	sshll.u32 s7, $0x1;
	s4 =	sadd.s32 s5, s19  }
0x9d: {  	s8 =	simm.s32 $0x0;
	s20 =	sshll.u32 s6, $0x1;
	s6 =	sadd.s32 s21, s4  }
0x9e: {  	[timem:s8], [sflag:s22] =	dma.local [hbm:s6], s20  }
0x9f: {  	_ =	swait.ge [sflag:s22], s20  }
0xa0: {  	s5 =	ssub.s32 $0x0, s20;
	[sflag:s22] =	ssyncset.done $0x0  }
0xa1: {  	[sflag:s22] =	ssyncadd.s32 s5;
	_ =	sdelay $0x1  }
0xa2: {  	s23 =	simm.s32 $0x1B8B  }
0xa3: {  	_ =	swait.ge [sflag:s23], $0x1  }
0xa4: {  	[sflag:s23] =	ssyncset.done $0x0  }
0xa5: {  	s25 =	simm.s32 $0x1B8E;
	s24 =	sld [smem:$0x3FFE];
	[sflag:s23] =	ssyncadd.s32 $0xFFFFFFFF  }
0xa6: {  	s26 =	simm.s32 $execute0_lowered;
	[smem:$0x3FD2] =	sst s25  }
0xa7: {  	s6 =	sshll.u32 s26, $0x1;
	_ =	strace $0x80000046;
	[dreg:$0x1] =	wrdreg $0xFFFFFFFF  }
0xa8: {  	s28 =	simm.s32 $_size_execute0_lowered;
	s4 =	sadd.s32 s4, s6;
	[dreg:$0x0] =	wrdreg $0x0  }
0xa9: {  	s6 =	sshll.u32 s28, $0x1;
	[dreg:$0x2] =	wrdreg s4  }
0xaa: {  	[dreg:$0x3] =	wrdreg s6  }
0xab: {  	[dreg:$0x4] =	wrdreg $0xC0  }
0xac: {  	_ =	task [dreg:s8], $0x5FFFF  }
0xad: {  	[dreg:$0x1] =	wrdreg $0xFFFFFFFF  }
0xae: {  	[dreg:$0x0] =	wrdreg $0x60  }
0xaf: {  	[dreg:$0x2] =	wrdreg s2  }
0xb0: {  	[dreg:$0x3] =	wrdreg s18  }
0xb1: {  	[dreg:$0x4] =	wrdreg s24  }
0xb2: {  	[dreg:$0x5] =	wrdreg $0x9  }
0xb3: {  	_ =	task.clear_ibuf [dreg:s8], $0x6FFFF;
	_ =	strace $0x90000046  }
0xb4: {  	s29 =	simm.s32 $0x9;
	_ =	strace $0x80000048  }
0xb5: {  	_ =	swait.ge [sflag:s29], $0x1  }
0xb6: {  	[sflag:s29] =	ssyncadd.s32 $0xFFFFFFFF  }
0xb7: {  	_ =	strace $0x90000048  }
0xb8: {  	_ =	sfence  }
0xb9: {  	s30 =	sld [smem:$0x0];
	_ =	sdelay $0x2  }
0xba: {  	s31 =	sshll.u32 s1, $0xD;
	s1 =	sshrl.u32 s1, $0x2  }
0xbb: {  	s3 =	sand.u32 $0x4000, s31;
	s1 =	sadd.s32 s1, s30  }
0xbc: {  	s0 =	sor.u32 s3, s0;
	s1 =	sshll.u32 s1, $0x11  }
0xbd: {  	s0 =	sor.u32 s1, s0  }
0xbe: {  	s0 =	sadd.s32 $0x8F2B, s0  }
0xbf: {  	[sflag:s0] =	ssyncadd.remote.s32 $0x1  }
0xc0: {  	_ =	sfence.sel $0xFFFF  }
0xc1: {  	[dreg:$0x0] =	wrdreg $0xFFFFFFFF;
	(pc) =	sbr.abs _section_cstart, $3  }
0xc2: {  	[dreg:$0x1] =	wrdreg $0xFFFFFFFF  }
0xc3: {  	_ =	task.clear_ibuf [dreg:s8], $0x2FFFF;
	_ =	strace $0x9FFFFFFF  }
0xc4: {  	(tm) =	ssettm $0x7FFFFFFF  }
0xc5: {  	_ =	shalt  }
tec
execute0_lowered:
.L_overlay_start_1:
0x0: {  	(tag) =	ssettag $0x1  }
0x1: {  	s0 =	srdreg.scid  }
0x2: {  	s5 =	sand.u32 $0x1, s0;
	s0 =	stileid.u32  }
0x3: {  	s6 =	sor.u32 s0, s5  }
0x4: {  	p0 =	sne.s32 s6, $0x0  }
.Ltmp0:
0x5: {  	_ = 	snop;
	(pc) =	sbr.rel @p0 .LBB2_7-.Ltmp0, $4  }
0x6: {  	s1 =	rddreg [dreg:$0x0]  }
0x7: {  	s3 =	rddreg [dreg:$0x1]  }
0x8: {  	s4 =	rddreg [dreg:$0x2]  }
0x9: {  	s2 =	rddreg [dreg:$0x3];
	_ =	strace $0x80000047  }
0xa: {  	s5 =	ssub.s32 $0x2, s5;
	v0 =	vlaneseq.u32  }
0xb: {  	s4 =	sadd.s32 $0xE00, s4;
	s7 =	simm.s32 $0x1;
	s8 =	simm.s32 $0x2000;
	v1 =	vmul.u32 $0x80, v0  }
0xc: {  	v2 =	vimm.f32 $0.0e+00;
	v6 =	vimm.s32 $0x0;
	v7 =	vimm.s32 $0x1;
	s9 =	simm.s32 $0x4400;
	s10 =	simm.s32 $0x4000;
	s6 =	sshrl.u32 s5, $0x1  }
0xd: {  	s11 =	simm.s32 $0x0;
	s5 =	ssub.s32 s5, s6;
	s6 =	simm.s32 $0x0;
	v3 =	vor.u32 $0x800, v1;
	v4 =	vor.u32 $0x1000, v1;
	v5 =	vor.u32 $0x1800, v1  }
.LBB2_2:
0xe: {  	[tilespmem:s6], [sflag:$0x1] =	stream.linear.gather [hbm4b:s1+s6], $0x2000, $0x38;
	[tilespmem:$0x4480] =	vst v63  }
0xf: {  	_ =	swait.ge [sflag:s7], $0x2000  }
0x10: {  	[sflag:s7] =	ssyncset.done $0x0  }
0x11: {  	s12 =	simm.s32 $0x0;
	[sflag:s7] =	ssyncadd.s32 $0xFFFFE000  }
.LBB2_3:
0x12: {  	p0 =	sne.s32 s12, $0x7E00  }
.Ltmp1:
0x13: {  	s13 =	sshra.s32 s12, $0x2;
	(pc) =	sbr.rel @p0 .LBB2_3-.Ltmp1, $4  }
0x14: {  	[tilespmem:s13+$0x2000] =	vst v2  }
0x15: {  	[tilespmem:s13+$0x2010] =	vst v2  }
0x16: {  	[tilespmem:s13+$0x2020] =	vst v2  }
0x17: {  	s12 =	sadd.s32 $0x200, s12;
	[tilespmem:s13+$0x2030] =	vst v2  }
0x18: {  	s15 =	simm.s32 $0x0  }
0x19: {  	v9 =	vor.u32 s15, v1  }
0x1a: {  	v10 =	vor.u32 s15, v5  }
0x1b: {  	v12 =	vor.u32 s15, v3  }
0x1c: {  	v13 =	vor.u32 s15, v4;
	_ =	sdelay $0x1  }
0x1d: {  	s12 =	simm.s32 $0x1;
	v9 =	vld.idx.msk [tilespmem:v9+s6+$0x0], $0xffff  }
0x1e: {  	v8 =	vor.u32 s12, v1;
	v10 =	vld.idx.msk [tilespmem:v10+s6+$0x0], $0xffff  }
0x1f: {  	s13 =	simm.s32 $0x2;
	v14 =	vor.u32 s12, v5;
	v29 =	vld.idx.msk [tilespmem:v12+s6+$0x0], $0xffff  }
0x20: {  	v20 =	vimm.f32 $-3.000000010e+38;
	v15 =	vor.u32 s13, v1;
	v18 =	vor.u32 s12, v4;
	v13 =	vld.idx.msk [tilespmem:v13+s6+$0x0], $0xffff  }
0x21: {  	s14 =	simm.s32 $0x3;
	v32 =	vor.u32 s13, v5;
	v30 =	vor.u32 s12, v3;
	v35 =	vor.u32 s13, v4  }
0x22: {  	v33 =	vor.u32 s14, v1;
	v16 =	vor.u32 s13, v3;
	v21 =	vor.u32 s14, v4  }
0x23: {  	v17 =	vor.u32 s14, v5;
	v11 =	vld.idx.msk [tilespmem:v8+s6+$0x0], $0xffff;
	v8 =	vimm.s32 $0x0;
	v12 =	vor.u32 s14, v3  }
0x24: {  	v24 =	vld.idx.msk [tilespmem:v14+s6+$0x0], $0xffff;
	vm3 =	vgt.f32 v9, v20;
	vm7 =	vgt.f32 v10, v20;
	vm2 =	vgt.f32 v29, v20  }
0x25: {  	vm5 =	vgt.f32 v13, v20;
	v25 =	vsel vm3, v9, v20;
	v14 =	vsel vm7, s15, v8  }
0x26: {  	v22 =	vld.idx.msk [tilespmem:v15+s6+$0x0], $0xffff;
	v27 =	vsel vm7, v10, v20;
	v37 =	vsel vm2, v29, v20;
	v9 =	vsel vm3, s15, v8  }
0x27: {  	v28 =	vld.idx.msk [tilespmem:v18+s6+$0x0], $0xffff;
	v31 =	vsel vm5, v13, v20;
	v23 =	vsel vm2, s15, v8;
	v36 =	vsel vm5, s15, v8  }
0x28: {  	v18 =	vld.idx.msk [tilespmem:v33+s6+$0x0], $0xffff;
	v33 =	vsel vm2, v29, v20;
	v29 =	vsel vm5, s15, v8;
	v10 =	vimm.s32 $0x0  }
0x29: {  	vm0 =	vgt.f32 v11, v25;
	vm4 =	vgt.f32 v24, v27;
	v19 =	vsel vm3, v8, v9  }
0x2a: {  	v9 =	vsel vm5, v13, v20;
	v26 =	vsel vm7, v20, v27;
	v34 =	vsel vm7, v8, v14  }
0x2b: {  	v30 =	vld.idx.msk [tilespmem:v30+s6+$0x0], $0xffff;
	v38 =	vsel vm3, v20, v25;
	v15 =	vsel vm0, v11, v25;
	v9 =	vsel vm5, v20, v9  }
0x2c: {  	v32 =	vld.idx.msk [tilespmem:v32+s6+$0x0], $0xffff;
	vm6 =	vgt.f32 v24, v26;
	v13 =	vsel vm4, s12, v14;
	vm7 =	vgt.f32 v28, v9  }
0x2d: {  	s20 =	simm.s32 $0x4;
	v35 =	vld.idx.msk [tilespmem:v35+s6+$0x0], $0xffff;
	vm1 =	vgt.f32 v22, v15;
	v39 =	vsel vm7, v28, v9;
	v9 =	vimm.s32 $0x0  }
.LBB2_5:
0x2e: {  	s18 =	sadd.s32 $0x1, s20  }
0x2f: {  	s17 =	sadd.s32 $0x2, s20;
	v8 =	vsel vm5, v8, v36;
	v36 =	vsel vm6, v24, v26;
	v40 =	vsel vm4, v24, v27;
	s19 =	smov.u32 s20;
	s16 =	sadd.s32 $0x4, s20  }
0x30: {  	p0 =	sne.s32 s20, $0x3C;
	v41 =	vor.u32 s18, v1;
	v24 =	vor.u32 s18, v5;
	v26 =	vor.u32 s17, v1  }
0x31: {  	vm9 =	vgt.f32 v28, v31;
	v8 =	vsel vm7, s12, v8;
	v27 =	vsel vm4, v27, v36  }
0x32: {  	v34 =	vsel vm6, s12, v34;
	v36 =	vor.u32 s19, v5;
	v39 =	vsel vm9, v31, v39  }
0x33: {  	v20 =	vsel vm2, v20, v37;
	v37 =	vsel vm1, v22, v15;
	vm6 =	vgt.f32 v32, v40  }
0x34: {  	vm5 =	vgt.f32 v18, v37;
	vm7 =	vgt.f32 v30, v20;
	vm10 =	vgt.f32 v35, v39;
	v17 =	vld.idx.msk [tilespmem:v17+s6+$0x0], $0xffff  }
0x35: {  	v42 =	vsel vm9, s12, v29;
	vm11 =	vgt.f32 v32, v27;
	v39 =	vsel vm10, v35, v39  }
0x36: {  	v23 =	vsel vm2, v9, v23;
	vm8 =	vgt.f32 v11, v38;
	v14 =	vsel vm4, v14, v34;
	v21 =	vld.idx.msk [tilespmem:v21+s6+$0x0], $0xffff  }
0x37: {  	v34 =	vsel vm3, s15, v10;
	v19 =	vsel vm8, s12, v19;
	v43 =	vsel vm6, v32, v40  }
0x38: {  	v10 =	vsel vm9, v28, v31;
	v44 =	vsel vm0, s12, v34;
	v28 =	vsel vm6, s13, v13  }
0x39: {  	v8 =	vsel vm9, v29, v8;
	vm9 =	vgt.f32 v35, v10;
	v27 =	vsel vm11, v32, v27  }
0x3a: {  	v14 =	vsel vm11, s13, v14;
	v27 =	vsel vm6, v40, v27;
	vm3 =	vgt.f32 v17, v43  }
0x3b: {  	v20 =	vsel vm7, v30, v20;
	v8 =	vsel vm10, s13, v8;
	v31 =	vsel vm9, v35, v10  }
0x3c: {  	v35 =	vsel vm9, s13, v42;
	v29 =	vsel vm3, s14, v28;
	vm10 =	vgt.f32 v21, v31  }
0x3d: {  	v10 =	vsel vm9, v10, v39;
	vm4 =	vgt.f32 v17, v27;
	v32 =	vsel vm10, v21, v31  }
0x3e: {  	v23 =	vsel vm7, s12, v23;
	v27 =	vsel vm4, v17, v27;
	vm7 =	vgt.f32 v21, v10  }
0x3f: {  	v11 =	vsel vm8, v11, v38;
	v13 =	vsel vm6, v13, v14;
	v10 =	vsel vm7, v21, v10;
	v16 =	vld.idx.msk [tilespmem:v16+s6+$0x0], $0xffff  }
0x40: {  	v11 =	vsel vm0, v25, v11;
	v14 =	vsel vm9, v42, v8;
	v8 =	vsel vm10, s14, v35  }
0x41: {  	vm6 =	vgt.f32 v22, v11;
	v21 =	vsel vm1, s13, v44;
	v38 =	vsel vm10, v31, v10  }
0x42: {  	v9 =	vsel vm2, s15, v9;
	s15 =	smov.u32 s19;
	v11 =	vsel vm6, v22, v11;
	v14 =	vsel vm7, s14, v14  }
0x43: {  	vm2 =	vgt.f32 v30, v33;
	v10 =	vsel vm5, s14, v21;
	v35 =	vsel vm10, v35, v14  }
0x44: {  	v14 =	vsel vm0, v34, v19;
	v19 =	vsel vm2, v33, v20;
	v20 =	vsel vm2, s12, v9;
	s12 =	smov.u32 s18  }
0x45: {  	v22 =	vsel vm2, v30, v33;
	v14 =	vsel vm6, s13, v14;
	vm0 =	vgt.f32 v16, v19;
	v12 =	vld.idx.msk [tilespmem:v12+s6+$0x0], $0xffff  }
0x46: {  	v14 =	vsel vm1, v44, v14;
	vm6 =	vgt.f32 v16, v22;
	v19 =	vsel vm0, v16, v19  }
0x47: {  	v13 =	vsel vm4, s14, v13;
	v9 =	vsel vm2, v9, v23;
	v23 =	vsel vm6, s13, v20  }
0x48: {  	v25 =	vor.u32 s15, v1;
	v13 =	vsel vm3, v28, v13;
	v16 =	vsel vm6, v16, v22  }
0x49: {  	v30 =	vor.u32 s15, v4;
	v15 =	vsel vm1, v15, v11;
	v28 =	vor.u32 s15, v3  }
0x4a: {  	v27 =	vsel vm3, v43, v27;
	v33 =	vsel vm5, v18, v37;
	v9 =	vsel vm0, s13, v9;
	s13 =	smov.u32 s17  }
0x4b: {  	vm0 =	vgt.f32 v18, v15;
	v31 =	vsel vm6, v20, v9;
	vm1 =	vgt.f32 v12, v16  }
0x4c: {  	v19 =	vsel vm6, v22, v19;
	v14 =	vsel vm0, s14, v14;
	v20 =	vsel vm1, v12, v16;
	v11 =	vld.idx.msk [tilespmem:v41+s6+$0x0], $0xffff  }
0x4d: {  	v39 =	vsel vm3, v17, v43;
	vm2 =	vgt.f32 v12, v19;
	v9 =	vsel vm1, s14, v23;
	v34 =	vld.idx.msk [tilespmem:v25+s6+$0x0], $0xffff  }
0x4e: {  	v15 =	vsel vm0, v18, v15;
	v12 =	vsel vm2, v12, v19;
	v17 =	vsel vm2, s14, v31;
	v36 =	vld.idx.msk [tilespmem:v36+s6+$0x0], $0xffff  }
0x4f: {  	v41 =	vsel vm5, v37, v15;
	v15 =	vsel vm1, v16, v12;
	v18 =	vsel vm1, v23, v17;
	v40 =	vld.idx.msk [tilespmem:v28+s6+$0x0], $0xffff  }
0x50: {  	v42 =	vor.u32 s13, v5;
	v19 =	vor.u32 s12, v4;
	s14 =	sadd.s32 $0x3, s15;
	v23 =	vsel vm5, v21, v14;
	v30 =	vld.idx.msk [tilespmem:v30+s6+$0x0], $0xffff  }
0x51: {  	v43 =	vor.u32 s12, v3;
	v44 =	vor.u32 s13, v4;
	v45 =	vor.u32 s14, v1  }
0x52: {  	v16 =	vor.u32 s13, v3;
	v21 =	vor.u32 s14, v4;
	v17 =	vor.u32 s14, v5;
	v24 =	vld.idx.msk [tilespmem:v24+s6+$0x0], $0xffff  }
0x53: {  	v12 =	vor.u32 s14, v3;
	vm3 =	vgt.f32 v34, v33;
	vm7 =	vgt.f32 v34, v41  }
0x54: {  	v25 =	vsel vm3, v34, v33;
	vm8 =	vgt.f32 v36, v39;
	vm1 =	vgt.f32 v36, v27;
	v22 =	vld.idx.msk [tilespmem:v26+s6+$0x0], $0xffff  }
0x55: {  	vm2 =	vgt.f32 v40, v15;
	v46 =	vsel vm1, s15, v13;
	vm0 =	vgt.f32 v11, v25  }
0x56: {  	v13 =	vsel vm1, v36, v27;
	v27 =	vsel vm8, v36, v39;
	v14 =	vsel vm8, s15, v29  }
0x57: {  	v37 =	vsel vm2, v40, v15;
	vm5 =	vgt.f32 v30, v32;
	v15 =	vsel vm0, v11, v25;
	v28 =	vld.idx.msk [tilespmem:v19+s6+$0x0], $0xffff  }
0x58: {  	v31 =	vsel vm5, v30, v32;
	v19 =	vsel vm7, s15, v23;
	vm4 =	vgt.f32 v24, v27  }
0x59: {  	vm9 =	vgt.f32 v30, v38;
	v23 =	vsel vm2, s15, v18;
	v19 =	vsel vm3, v10, v19  }
.Ltmp2:
0x5a: {  	v26 =	vsel vm8, v39, v13;
	v30 =	vsel vm9, v30, v38;
	vm1 =	vgt.f32 v22, v15;
	(pc) =	sbr.rel @p0 .LBB2_5-.Ltmp2, $4  }
0x5b: {  	vm2 =	vgt.f32 v40, v20;
	vm6 =	vgt.f32 v24, v26;
	v13 =	vsel vm4, s12, v14;
	v18 =	vld.idx.msk [tilespmem:v45+s6+$0x0], $0xffff  }
0x5c: {  	v36 =	vsel vm7, v34, v41;
	v34 =	vsel vm8, v29, v46;
	v39 =	vsel vm5, v32, v30;
	v30 =	vld.idx.msk [tilespmem:v43+s6+$0x0], $0xffff  }
0x5d: {  	v38 =	vsel vm3, v33, v36;
	v36 =	vsel vm9, s15, v35;
	vm7 =	vgt.f32 v28, v39;
	v32 =	vld.idx.msk [tilespmem:v42+s6+$0x0], $0xffff  }
0x5e: {  	s20 =	smov.u32 s16;
	v29 =	vsel vm5, s15, v8;
	v33 =	vsel vm2, v40, v20;
	v39 =	vsel vm7, v28, v39;
	v35 =	vld.idx.msk [tilespmem:v44+s6+$0x0], $0xffff  }
0x5f: {  	vm8 =	vgt.f32 v11, v38  }
0x60: {  	v11 =	vsel vm8, v11, v38  }
0x61: {  	v11 =	vsel vm0, v25, v11  }
0x62: {  	vm13 =	vgt.f32 v22, v11  }
0x63: {  	v11 =	vsel vm13, v22, v11  }
0x64: {  	v11 =	vsel vm1, v15, v11  }
0x65: {  	v49 =	vsel vm1, v22, v15;
	vm9 =	vgt.f32 v18, v11  }
0x66: {  	vm14 =	vgt.f32 v18, v49;
	v11 =	vsel vm9, v18, v11  }
0x67: {  	v52 =	vsel vm14, v18, v49;
	v11 =	vsel vm14, v49, v11  }
0x68: {  	v11 =	vsub.f32 v11, v52;
	_ =	sdelay $0x1  }
0x69: {  	v53 =	vld.idx.msk [tilespmem:v16+s6+$0x0], $0xffff;
	v11 =	vmul.f32 $1.442695020e+00, v11  }
0x6a: {  	v40 =	vimm.s32 $0x0;
	v50 =	vimm.s32 $0x0;
	v54 =	vsel vm2, v20, v37  }
0x6b: {  	v55 =	vimm.s32 $0x0;
	vm15 =	vgt.f32 v30, v54;
	(erf) = vpow2.f32 v11  }
0x6c: {  	v12 =	vld.idx.msk [tilespmem:v12+s6+$0x0], $0xffff;
	v56 =	vsel vm15, v30, v54;
	v18 =	vsel vm15, $0xFFFFFFFF, v55;
	vm15 =	vgt.f32 v30, v33  }
0x6d: {  	v51 =	vimm.s32 $0x0;
	v40 =	vsel vm8, $0xFFFFFFFF, v40;
	v11 =	vsel vm15, v33, v56  }
0x6e: {  	v22 =	vsel vm9, $0xFFFFFFFF, v50;
	v57 =	vsel vm15, v30, v33;
	vm8 =	vgt.f32 v53, v11  }
0x6f: {  	[tilespmem:$0x1FFB0] =	vst v22;
	v22 =	vsel vm14, $0xFFFFFFFF, v51;
	vm14 =	vgt.f32 v53, v57;
	v11 =	vsel vm8, v53, v11  }
0x70: {  	v11 =	vsel vm14, v57, v11  }
0x71: {  	v48 =	vimm.s32 $0x0;
	v15 =	vsel vm14, v53, v57;
	vm12 =	vgt.f32 v12, v11  }
0x72: {  	v25 =	vsel vm13, $0xFFFFFFFF, v48;
	vm13 =	vgt.f32 v12, v15;
	v11 =	vsel vm12, v12, v11  }
0x73: {  	v12 =	vsel vm13, v12, v15;
	v11 =	vsel vm13, v15, v11  }
0x74: {  	v11 =	vsub.f32 v11, v12;
	v15 =	vpop (erf)  }
0x75: {  	v61 =	vadd.f32 $1.000000000e+00, v15  }
0x76: {  	v11 =	vmul.f32 $1.442695020e+00, v11  }
0x77: {  	v58 =	vimm.s32 $0x0;
	(erf) = vrcp.f32 v61  }
0x78: {  	v59 =	vimm.s32 $0x0;
	v62 =	vld.idx.msk [tilespmem:v21+s6+$0x0], $0xffff;
	[tilespmem:$0x1FF80] =	vst v25;
	vm9 =	vgt.f32 v28, v31;
	(erf) = vpow2.f32 v11  }
0x79: {  	v60 =	vimm.s32 $0x0;
	[tilespmem:$0x1FF70] =	vst v18;
	v63 =	vsel vm9, v31, v39;
	v21 =	vsel vm9, v28, v31  }
0x7a: {  	[tilespmem:$0x1FF90] =	vst v22;
	v18 =	vsel vm8, $0xFFFFFFFF, v58;
	v16 =	vsel vm12, $0xFFFFFFFF, v59;
	vm12 =	vgt.f32 v35, v63  }
0x7b: {  	v25 =	vimm.s32 $0x0;
	vm10 =	vgt.f32 v35, v21;
	[tilespmem:$0x1FFA0] =	vst v18;
	v12 =	vsel vm12, v35, v63  }
0x7c: {  	v22 =	vimm.s32 $0x0;
	[tilespmem:$0x1FFD0] =	vst v16;
	v16 =	vsel vm13, $0xFFFFFFFF, v60;
	v12 =	vsel vm10, v21, v12  }
0x7d: {  	v18 =	vsel vm12, $0xFFFFFFFF, v22;
	[tilespmem:$0x1FFC0] =	vst v16;
	v16 =	vsel vm10, v35, v21;
	vm13 =	vgt.f32 v62, v12  }
0x7e: {  	[tilespmem:$0x1FF60] =	vst v18;
	v18 =	vsel vm13, $0xFFFFFFFF, v25  }
0x7f: {  	v12 =	vsel vm13, v62, v12;
	vm13 =	vgt.f32 v62, v16  }
0x80: {  	v12 =	vsel vm13, v16, v12;
	v11 =	vsel vm13, v62, v16;
	v16 =	vpop (erf)  }
0x81: {  	[tilespmem:$0x1FFE0] =	vst v18;
	v11 =	vsub.f32 v12, v11;
	v18 =	vpop (erf)  }
0x82: {  	v28 =	vadd.f32 $1.000000000e+00, v18  }
0x83: {  	v11 =	vmul.f32 $1.442695020e+00, v11  }
0x84: {  	(erf) = vrcp.f32 v28  }
0x85: {  	v30 =	vsel vm6, v24, v26;
	v31 =	vld.idx.msk [tilespmem:v17+s6+$0x0], $0xffff;
	(erf) = vpow2.f32 v11  }
0x86: {  	v11 =	vsel vm4, v27, v30  }
0x87: {  	v33 =	vsel vm4, v24, v27;
	vm12 =	vgt.f32 v32, v11  }
0x88: {  	vm8 =	vgt.f32 v32, v33;
	v11 =	vsel vm12, v32, v11  }
0x89: {  	v11 =	vsel vm8, v33, v11  }
0x8a: {  	v17 =	vsel vm8, v32, v33;
	v35 =	vimm.s32 $0x0;
	vm11 =	vgt.f32 v31, v11  }
0x8b: {  	v20 =	vsel vm11, $0xFFFFFFFF, v35  }
0x8c: {  	v11 =	vsel vm11, v31, v11;
	vm11 =	vgt.f32 v31, v17  }
0x8d: {  	v11 =	vsel vm11, v17, v11;
	v12 =	vsel vm11, v31, v17;
	v17 =	vpop (erf)  }
0x8e: {  	v48 =	vld [tilespmem:$0x1FF80];
	[tilespmem:$0x1FFF0] =	vst v20;
	v11 =	vsub.f32 v11, v12;
	v20 =	vpop (erf)  }
0x8f: {  	v8 =	vsel vm5, v8, v36;
	v10 =	vsel vm3, s15, v10;
	[tilespmem:$0x1FF50] =	vst v40;
	v42 =	vld [tilespmem:$0x1FF60];
	v37 =	vadd.f32 $1.000000000e+00, v20  }
0x90: {  	v41 =	vsel vm2, v9, v23;
	v47 =	vsel vm2, s15, v9;
	v39 =	vld [tilespmem:$0x1FF50];
	v11 =	vmul.f32 $1.442695020e+00, v11  }
0x91: {  	v8 =	vsel vm7, s12, v8;
	v46 =	vsel vm0, s12, v10;
	v51 =	vld [tilespmem:$0x1FF90];
	(erf) = vrcp.f32 v37  }
0x92: {  	v38 =	vsel vm6, s12, v34;
	v50 =	vsel vm1, s13, v46;
	v60 =	vld [tilespmem:$0x1FFD0];
	(erf) = vpow2.f32 v11  }
0x93: {  	v40 =	vsel vm9, s12, v29;
	v8 =	vsel vm9, v29, v8;
	v43 =	vld [tilespmem:$0x1FF70];
	v52 =	vsel vm15, s12, v47  }
0x94: {  	v45 =	vsel vm10, s13, v40;
	vm9 =	vnez.u8 v48;
	vm6 =	vnez.u8 v42;
	v62 =	vld [tilespmem:$0x1FFE0]  }
0x95: {  	vm7 =	vnez.u8 v39;
	v56 =	vsel vm14, s13, v52;
	v57 =	vld [tilespmem:$0x1FFB0];
	v8 =	vsel vm6, s13, v8  }
0x96: {  	v44 =	vsel vm8, s13, v13;
	v8 =	vsel vm10, v40, v8;
	vm10 =	vnez.u8 v51  }
0x97: {  	v54 =	vld [tilespmem:$0x1FFA0];
	vm5 =	vnez.u8 v60;
	v23 =	vsel vm10, s14, v50;
	v12 =	vsel vm7, s12, v19  }
0x98: {  	v58 =	vadd.s32 v1, v23;
	vm7 =	vnez.u8 v43;
	v10 =	vsel vm0, v10, v12  }
0x99: {  	v59 =	vld [tilespmem:$0x1FFC0];
	vm6 =	vnez.u8 v62;
	v19 =	vsel vm7, s12, v41;
	v10 =	vsel vm9, s13, v10  }
0x9a: {  	v9 =	vsel vm15, v47, v19;
	vm15 =	vnez.u8 v57;
	v10 =	vsel vm1, v46, v10;
	v49 =	vpop (erf)  }
0x9b: {  	v8 =	vsel vm6, s14, v8;
	v10 =	vsel vm15, s14, v10;
	v11 =	vsel vm4, v14, v38;
	v53 =	vpop (erf)  }
0x9c: {  	v11 =	vsel vm12, s13, v11;
	vm12 =	vnez.u8 v54;
	v55 =	vadd.f32 $1.000000000e+00, v53  }
0x9d: {  	v8 =	vsel vm13, v45, v8;
	v34 =	vld [tilespmem:$0x1FFF0];
	v10 =	vsel vm10, v50, v10;
	v9 =	vsel vm12, s13, v9  }
0x9e: {  	vm4 =	vnez.u8 v59;
	v9 =	vsel vm14, v52, v9;
	(erf) = vrcp.f32 v55  }
0x9f: {  	v61 =	vadd.s32 v1, v10;
	v14 =	vsel vm4, s14, v56;
	v9 =	vsel vm5, s14, v9  }
0xa0: {  	v32 =	vsel vm13, s14, v45;
	v63 =	vadd.s32 v3, v14;
	v9 =	vsel vm4, v56, v9  }
0xa1: {  	v15 =	vmul.f32 v16, v15;
	v35 =	vadd.s32 v4, v32;
	v33 =	vadd.s32 v3, v9  }
0xa2: {  	v36 =	vsel vm11, s14, v44;
	vm7 =	vnez.u8 v34;
	v11 =	vsel vm8, v13, v11  }
0xa3: {  	[tilespmem:v58+s8+$0x0] =	vst.idx.msk $0xffff, v16;
	v39 =	vadd.s32 v5, v36;
	v37 =	vadd.s32 v4, v8;
	v11 =	vsel vm7, s14, v11  }
0xa4: {  	v38 =	vmul.f32 v17, v18;
	v11 =	vsel vm11, v44, v11;
	[tilespmem:v61+s8+$0x0] =	vst.idx.msk $0xffff, v15  }
0xa5: {  	v40 =	vadd.s32 v5, v11;
	[tilespmem:v63+s8+$0x0] =	vst.idx.msk $0xffff, v17  }
0xa6: {  	v41 =	vmul.f32 v49, v20;
	[tilespmem:v33+s8+$0x0] =	vst.idx.msk $0xffff, v38  }
0xa7: {  	[tilespmem:v35+s8+$0x0] =	vst.idx.msk $0xffff, v49;
	v42 =	vpop (erf)  }
0xa8: {  	[tilespmem:v37+s8+$0x0] =	vst.idx.msk $0xffff, v41;
	v43 =	vmul.f32 v42, v53  }
0xa9: {  	[tilespmem:v39+s8+$0x0] =	vst.idx.msk $0xffff, v42  }
0xaa: {  	[tilespmem:v40+s8+$0x0] =	vst.idx.msk $0xffff, v43  }
0xab: {  	[hbm4b:s3+s6] =	stream.linear.scatter [tilespmem:s8], [sflag:$0x1], $0x2000, $0x38;
	[tilespmem:$0x4480] =	vst v63  }
0xac: {  	_ =	swait.ge [sflag:s7], $0x2000  }
0xad: {  	[sflag:s7] =	ssyncset.done $0x0  }
0xae: {  	[sflag:s7] =	ssyncadd.s32 $0xFFFFE000  }
0xaf: {  	[tilespmem:$0x4400] =	vst v6  }
0xb0: {  	[tilespmem:$0x4410] =	vst v6  }
0xb1: {  	[tilespmem:$0x4420] =	vst v6  }
0xb2: {  	[tilespmem:$0x4430] =	vst v6  }
0xb3: {  	[tilespmem:v23+s9+$0x0] =	vst.idx.msk $0xffff, v7  }
0xb4: {  	[tilespmem:v10+s9+$0x0] =	vst.idx.msk $0xffff, v7  }
0xb5: {  	[tilespmem:v14+s9+$0x0] =	vst.idx.msk $0xffff, v7  }
0xb6: {  	[tilespmem:v9+s9+$0x0] =	vst.idx.msk $0xffff, v7  }
0xb7: {  	[tilespmem:v32+s9+$0x0] =	vst.idx.msk $0xffff, v7  }
0xb8: {  	[tilespmem:v8+s9+$0x0] =	vst.idx.msk $0xffff, v7  }
0xb9: {  	[tilespmem:v36+s9+$0x0] =	vst.idx.msk $0xffff, v7  }
0xba: {  	[tilespmem:v11+s9+$0x0] =	vst.idx.msk $0xffff, v7  }
0xbb: {  	v8 =	vld [tilespmem:$0x4400]  }
0xbc: {  	v9 =	vld [tilespmem:$0x4410];
	_ =	sdelay $0x1  }
0xbd: {  	v10 =	vld [tilespmem:$0x4420]  }
0xbe: {  	v11 =	vld [tilespmem:$0x4430]  }
0xbf: {  	v44 =	vor.u32 $0x80000000, v0;
	vm8 =	veq.s32 v8, $0x1  }
0xc0: {  	v45 =	vor.u32 $0x80000010, v0;
	vm9 =	veq.s32 v9, $0x1;
	v12 =	vnsel vm8, $0x7FFFFFFF, v44  }
0xc1: {  	v46 =	vnsel vm9, $0x7FFFFFFF, v45;
	(xrf0) =	vmax.scan.msk.u32 $0xffff, v12  }
0xc2: {  	v47 =	vor.u32 $0x80000020, v0;
	vm10 =	veq.s32 v10, $0x1;
	(xrf0) =	vmax.scan.msk.u32 $0xffff, v46  }
0xc3: {  	v49 =	vor.u32 $0x80000030, v0;
	vm11 =	veq.s32 v11, $0x1;
	v48 =	vnsel vm10, $0x7FFFFFFF, v47  }
0xc4: {  	v50 =	vnsel vm11, $0x7FFFFFFF, v49;
	(xrf0) =	vmax.scan.msk.u32 $0xffff, v48  }
0xc5: {  	(xrf0) =	vmax.scan.msk.u32 $0xffff, v50  }
0xc6: {  	(xrf0) =	vadd.scan.msk.s32 $0xffff, v8  }
0xc7: {  	v8, _, _ =	vpop (xrf0);
	(xrf0) =	vadd.scan.msk.s32 $0xffff, v9  }
0xc8: {  	(v2sf) =	vpush v8, $0xF;
	v8, _, _ =	vpop (xrf0);
	(xrf0) =	vadd.scan.msk.s32 $0xffff, v10;
	_ =	sdelay $0x1  }
0xc9: {  	v51, _, _ =	vpop (xrf0);
	(v2sf) =	vpush v8, $0xF  }
0xca: {  	v8, _, _ =	vpop (xrf0);
	(v2sf) =	vpush v51, $0xF  }
0xcb: {  	v52, _, _ =	vpop (xrf0);
	(v2sf) =	vpush v8, $0xF  }
0xcc: {  	(v2sf) =	vpush v52, $0xF;
	v8, _, _ =	vpop (xrf0)  }
0xcd: {  	(v2sf) =	vpush v8, $0xF;
	v10, _, _ =	vpop (xrf0)  }
0xce: {  	(v2sf) =	vpush v10, $0xF  }
0xcf: {  	(xrf0) =	vadd.scan.msk.s32 $0xffff, v11;
	_ =	sdelay $0x5  }
0xd0: {  	v11, _, _ =	vpop (xrf0)  }
0xd1: {  	s24 =	spop (v2sf);
	(v2sf) =	vpush v11, $0xF;
	_ =	sdelay $0x1  }
0xd2: {  	s25 =	spop (v2sf)  }
0xd3: {  	s26 =	spop (v2sf)  }
0xd4: {  	s12 =	sxor.u32 $0x80000000, s24;
	s13 =	sxor.u32 $0x80000000, s25;
	s28 =	spop (v2sf)  }
0xd5: {  	s14 =	sxor.u32 $0x80000000, s26;
	p0 =	sgt.s32 s12, s13;
	s16 =	spop (v2sf)  }
0xd6: {  	s15 =	sxor.u32 $0x80000000, s28;
	s13 =	smov.u32 @p0 s12;
	s29 =	spop (v2sf)  }
0xd7: {  	p0 =	sgt.s32 s14, s15;
	s12 =	sadd.s32 s16, s29;
	s30 =	spop (v2sf)  }
0xd8: {  	v9 =	vadd.s32 $0xFFFFFFFF, v52;
	s15 =	smov.u32 @p0 s14;
	v53 =	vmov s12;
	s12 =	sadd.s32 s30, s12  }
0xd9: {  	v54 =	vbroadcast v9, $0xF;
	p0 =	sgt.s32 s13, s15;
	v12 =	vadd.s32 $0xFFFFFFFF, v53;
	v55 =	vmov s12  }
0xda: {  	v9 =	vnsel vm8, $0x0, v9;
	s15 =	smov.u32 @p0 s13;
	v12 =	vbroadcast v12, $0x0;
	v14 =	vadd.s32 $0xFFFFFFFF, v55  }
0xdb: {  	v8 =	vadd.s32 v8, v54;
	v56 =	vmov s15;
	v57 =	vbroadcast v14, $0x0  }
0xdc: {  	v8 =	vnsel vm9, $0x0, v8;
	[tilespmem:$0x4400] =	vst v56;
	v10 =	vadd.s32 v10, v12  }
0xdd: {  	[tilespmem:$0x4410] =	vst v56;
	v10 =	vnsel vm10, $0x0, v10;
	v11 =	vadd.s32 v11, v57  }
0xde: {  	[tilespmem:$0x4420] =	vst v56;
	v11 =	vnsel vm11, $0x0, v11  }
0xdf: {  	[tilespmem:$0x4430] =	vst v56;
	s31 =	spop (v2sf)  }
0xe0: {  	v58 =	vor.u32 $0x10, v0;
	[tilespmem:v9+s9+$0x0] =	vst.idx.msk vm8, v0;
	s12 =	sadd.s32 s31, s12  }
0xe1: {  	[tilespmem:v8+s9+$0x0] =	vst.idx.msk vm9, v58;
	v8 =	vor.u32 $0x20, v0;
	v60 =	vmov s12  }
0xe2: {  	v59 =	vor.u32 $0x30, v0;
	[tilespmem:v10+s9+$0x0] =	vst.idx.msk vm10, v8;
	vm12 =	vgt.s32 v60, v0  }
0xe3: {  	[tilespmem:v11+s9+$0x0] =	vst.idx.msk vm11, v59;
	v61 =	vsel vm12, $0x1, v6  }
0xe4: {  	[tilespmem:$0x4080] =	vst v61  }
0xe5: {  	[tilespmem:$0x4100] =	vst v6  }
0xe6: {  	[tilespmem:$0x4180] =	vst v6  }
0xe7: {  	[tilespmem:$0x4200] =	vst v6  }
0xe8: {  	[tilespmem:$0x4280] =	vst v6  }
0xe9: {  	vm13 =	vgt.s32 v60, v58;
	[tilespmem:$0x4300] =	vst v6  }
0xea: {  	v9 =	vsel vm13, $0x1, v6;
	[tilespmem:$0x4380] =	vst v6  }
0xeb: {  	[tilespmem:$0x4090] =	vst v9  }
0xec: {  	[tilespmem:$0x4110] =	vst v6  }
0xed: {  	[tilespmem:$0x4190] =	vst v6  }
0xee: {  	[tilespmem:$0x4210] =	vst v6  }
0xef: {  	[tilespmem:$0x4290] =	vst v6  }
0xf0: {  	vm14 =	vgt.s32 v60, v8;
	[tilespmem:$0x4310] =	vst v6  }
0xf1: {  	v8 =	vsel vm14, $0x1, v6;
	[tilespmem:$0x4390] =	vst v6  }
0xf2: {  	[tilespmem:$0x40A0] =	vst v8  }
0xf3: {  	[tilespmem:$0x4120] =	vst v6  }
0xf4: {  	[tilespmem:$0x41A0] =	vst v6  }
0xf5: {  	[tilespmem:$0x4220] =	vst v6  }
0xf6: {  	[tilespmem:$0x42A0] =	vst v6  }
0xf7: {  	[tilespmem:$0x4320] =	vst v6  }
0xf8: {  	[tilespmem:$0x43A0] =	vst v6  }
0xf9: {  	[tilespmem:$0x4130] =	vst v6  }
0xfa: {  	v11 =	vld [tilespmem:$0x4400];
	[tilespmem:$0x41B0] =	vst v6  }
0xfb: {  	v62 =	vld [tilespmem:$0x4410];
	[tilespmem:$0x4230] =	vst v6  }
0xfc: {  	v63 =	vld [tilespmem:$0x4420];
	[tilespmem:$0x42B0] =	vst v6  }
0xfd: {  	v8 =	vld [tilespmem:$0x4430];
	[tilespmem:$0x4330] =	vst v6  }
0xfe: {  	[tilespmem:$0x43B0] =	vst v6  }
0xff: {  	[tilespmem:$0x4000] =	vst v11  }
0x100: {  	[tilespmem:$0x4010] =	vst v62  }
0x101: {  	s11 =	sadd.s32 $0x1, s11;
	vm15 =	vgt.s32 v60, v59;
	[tilespmem:$0x4020] =	vst v63  }
0x102: {  	p0 =	sne.s32 s11, s5;
	[tilespmem:$0x4030] =	vst v8;
	v8 =	vsel vm15, $0x1, v6  }
.Ltmp3:
0x103: {  	[tilespmem:$0x40B0] =	vst v8;
	(pc) =	sbr.rel @p0 .LBB2_2-.Ltmp3, $4  }
0x104: {  	[hbm4b:s4+s6] =	stream.linear.scatter [tilespmem:s10], [sflag:$0x1], $0x400, $0x38;
	[tilespmem:$0x4480] =	vst v63  }
0x105: {  	_ =	swait.ge [sflag:s7], $0x400  }
0x106: {  	[sflag:s7] =	ssyncset.done $0x0  }
0x107: {  	[sflag:s7] =	ssyncadd.s32 $0xFFFFFC00  }
.LBB2_7:
0x108: {  	_ =	sfence.sel $0x180000  }
0x109: {  	[bflag:$0x0] =	sbarrier.arrive $0xFFFF  }
0x10a: {  	p0 =	sne.s32 s0, $0x0;
	_ =	strace $0x90000047  }
0x10b: {  	s0 =	sadd.s32 @!p0 $0x100000, s2;
	[bflag:$0x2] =	sbarrier.arrive $0xFFFF  }
0x10c: {  	[sflag:s0] =	ssyncadd.tile.s32 @!p0 $0x1;
	_ =	shalt  }
.Lfunc_end2:
_tile_overlayer_lowered:
.L_overlay_start_2:
0x10d: {  	(tag) =	ssettag $0x2  }
0x10e: {  	s0 =	rddreg [dreg:$0x0];
	s2 =	stileid.u32  }
0x10f: {  	s1 =	rddreg [dreg:$0x1];
	p0 =	sne.s32 s2, $0x0  }
0x110: {  	s3 =	rddreg [dreg:$0x2];
	[bflag:$0x3] =	sbarrier.arrive $0xFFFF;
	s2 =	simm.s32 @!p0 $0x1C01  }
0x111: {  	[timem:s3], [sflag:s2] =	dma.local @!p0 [hbm:s0], s1  }
0x112: {  	s0 =	simm.s32 @!p0 $0x1  }
0x113: {  	_ =	swait.ge @!p0 [sflag:s0], s1  }
0x114: {  	s1 =	ssub.s32 @!p0 $0x0, s1;
	[sflag:s0] =	ssyncset.done @!p0 $0x0  }
0x115: {  	[sflag:s0] =	ssyncadd.s32 @!p0 s1  }
0x116: {  	[bflag:$0x3] =	sbarrier.arrive $0xFFFF  }
0x117: {  	_ =	shalt  }

</sc_bundles>
